<compile_context>
chip_gen: v7x
topology: tpu7x:2x2x1
jax: 0.10.2.dev20260603
libtpu: 0.0.44.dev20260713+nightly
codegen_flags: <defaults>
</compile_context>

<pallas_src>
import functools

import jax
import jax.numpy as jnp
from jax import lax
from jax.experimental import pallas as pl
from jax.experimental.pallas import tpu as pltpu
from jax.experimental.pallas import tpu_sc as plsc

BATCH = 20000
MEMORY_DIM = 256
GATES = 3 * MEMORY_DIM

N_TILES = 32
CHUNK = 40
CHUNKS_PER_TILE = 16
B_PAD = N_TILES * CHUNKS_PER_TILE * CHUNK
NBUF = 3


def _sc_gather(table, idx):
    mesh = plsc.VectorSubcoreMesh(core_axis_name="c", subcore_axis_name="s")

    @functools.partial(
        pl.kernel,
        mesh=mesh,
        out_type=jax.ShapeDtypeStruct((B_PAD, MEMORY_DIM), jnp.float32),
        scratch_types=[
            pltpu.VMEM((CHUNKS_PER_TILE, CHUNK), jnp.int32),
            pltpu.VMEM((CHUNK, MEMORY_DIM), jnp.float32),
            pltpu.VMEM((CHUNK, MEMORY_DIM), jnp.float32),
            pltpu.VMEM((CHUNK, MEMORY_DIM), jnp.float32),
            pltpu.SemaphoreType.DMA,
            pltpu.SemaphoreType.DMA,
            pltpu.SemaphoreType.DMA,
            pltpu.SemaphoreType.DMA,
            pltpu.SemaphoreType.DMA,
            pltpu.SemaphoreType.DMA,
        ],
    )
    def gather_kernel(
        table_hbm, idx_hbm, out_hbm, idx_v, buf0, buf1, buf2,
        g0, g1, g2, w0, w1, w2,
    ):
        wid = lax.axis_index("c") * 16 + lax.axis_index("s")
        pltpu.sync_copy(idx_hbm.at[wid], idx_v)
        bufs = (buf0, buf1, buf2)
        gsems = (g0, g1, g2)
        wsems = (w0, w1, w2)

        def out_slice(j):
            return out_hbm.at[pl.ds((wid * CHUNKS_PER_TILE + j) * CHUNK, CHUNK)]

        for j in range(min(NBUF, CHUNKS_PER_TILE)):
            pltpu.async_copy(table_hbm.at[idx_v.at[j]], bufs[j], gsems[j])
        for j in range(CHUNKS_PER_TILE):
            b = j % NBUF
            pltpu.make_async_copy(table_hbm.at[idx_v.at[j]], bufs[b], gsems[b]).wait()
            pltpu.async_copy(bufs[b], out_slice(j), wsems[b])
            if j + NBUF < CHUNKS_PER_TILE:
                pltpu.make_async_copy(bufs[b], out_slice(j), wsems[b]).wait()
                pltpu.async_copy(
                    table_hbm.at[idx_v.at[j + NBUF]], bufs[b], gsems[b]
                )
        for j in range(max(0, CHUNKS_PER_TILE - NBUF), CHUNKS_PER_TILE):
            b = j % NBUF
            pltpu.make_async_copy(bufs[b], out_slice(j), wsems[b]).wait()

    return gather_kernel(table, idx)


def _tc_gru(mem_rows, w_hh_t, b_hh, bi_r, bi_z, bi_n):
    BM = 2000
    grid = (BATCH // BM,)

    def body(mem_ref, w_ref, bhh_ref, bir_ref, biz_ref, bin_ref, out_ref):
        h = mem_ref[...]
        gh = (
            jnp.dot(
                h.astype(jnp.bfloat16),
                w_ref[...],
                preferred_element_type=jnp.float32,
            )
            + bhh_ref[...]
        )
        h_r = gh[:, :MEMORY_DIM]
        h_z = gh[:, MEMORY_DIM : 2 * MEMORY_DIM]
        h_n = gh[:, 2 * MEMORY_DIM :]
        r = jax.nn.sigmoid(bir_ref[...] + h_r)
        z = jax.nn.sigmoid(biz_ref[...] + h_z)
        n = jnp.tanh(bin_ref[...] + r * h_n)
        out_ref[...] = (1.0 - z) * n + z * h

    return pl.pallas_call(
        body,
        grid=grid,
        in_specs=[
            pl.BlockSpec((BM, MEMORY_DIM), lambda i: (i, 0)),
            pl.BlockSpec((MEMORY_DIM, GATES), lambda i: (0, 0)),
            pl.BlockSpec((1, GATES), lambda i: (0, 0)),
            pl.BlockSpec((1, MEMORY_DIM), lambda i: (0, 0)),
            pl.BlockSpec((1, MEMORY_DIM), lambda i: (0, 0)),
            pl.BlockSpec((1, MEMORY_DIM), lambda i: (0, 0)),
        ],
        out_specs=pl.BlockSpec((BM, MEMORY_DIM), lambda i: (i, 0)),
        out_shape=jax.ShapeDtypeStruct((BATCH, MEMORY_DIM), jnp.float32),
        compiler_params=pltpu.CompilerParams(
            dimension_semantics=("parallel",),
        ),
    )(mem_rows, w_hh_t, b_hh, bi_r, bi_z, bi_n)


def kernel(n_id, memory, last_update, w_ih, w_hh, b_ih, b_hh):
    batch = n_id.shape[0]
    idx = jnp.pad(n_id, (0, B_PAD - batch)).reshape(
        N_TILES, CHUNKS_PER_TILE, CHUNK
    )
    mem_rows = _sc_gather(memory, idx)
    new_mem = _tc_gru(
        mem_rows,
        w_hh.T.astype(jnp.bfloat16),
        b_hh.reshape(1, GATES),
        b_ih[:MEMORY_DIM].reshape(1, MEMORY_DIM),
        b_ih[MEMORY_DIM : 2 * MEMORY_DIM].reshape(1, MEMORY_DIM),
        b_ih[2 * MEMORY_DIM :].reshape(1, MEMORY_DIM),
    )
    new_last_update = jnp.zeros((batch,), dtype=jnp.int32)
    return new_mem, new_last_update

# --- scband reference (transcript-rebuilt; emitter-appended) ---
"""Pipeline reference for scband-tgnmemory-3075196584344 (READ-ONLY COPY).

The authoritative reference and input builder live on the scoring server;
editing this copy changes nothing except your own understanding.
"""

import jax, jax.numpy as jnp
import numpy as np

NUM_NODES = 100000
MEMORY_DIM = 256
RAW_MSG_DIM = 128
TIME_DIM = 128
MSG_OUT = 2 * MEMORY_DIM + RAW_MSG_DIM + TIME_DIM  # IdentityMessage out_channels = 768
BATCH = 20000


def setup_inputs(seed: int = 0) -> dict:
    key = jax.random.key(seed)
    k1, k2, k3, k4, k5, k6 = jax.random.split(key, 6)
    n_id = jax.random.randint(k1, (BATCH,), 0, NUM_NODES, dtype=jnp.int32)
    # persistent buffers: memory table (freshly reset modules have zeros; we use
    # a populated memory to exercise the gather + GRU math on realistic state)
    memory = jax.random.normal(k2, (NUM_NODES, MEMORY_DIM), dtype=jnp.float32)
    last_update = jnp.zeros((NUM_NODES,), dtype=jnp.int32)
    # GRUCell parameters (torch layout: weight_ih [3*H, in], weight_hh [3*H, H])
    s_ih = 1.0 / np.sqrt(MEMORY_DIM)
    w_ih = jax.random.uniform(k3, (3 * MEMORY_DIM, MSG_OUT), minval=-s_ih, maxval=s_ih, dtype=jnp.float32)
    w_hh = jax.random.uniform(k4, (3 * MEMORY_DIM, MEMORY_DIM), minval=-s_ih, maxval=s_ih, dtype=jnp.float32)
    b_ih = jax.random.uniform(k5, (3 * MEMORY_DIM,), minval=-s_ih, maxval=s_ih, dtype=jnp.float32)
    b_hh = jax.random.uniform(k6, (3 * MEMORY_DIM,), minval=-s_ih, maxval=s_ih, dtype=jnp.float32)
    return {"n_id": n_id, "memory": memory, "last_update": last_update,
            "w_ih": w_ih, "w_hh": w_hh, "b_ih": b_ih, "b_hh": b_hh}


def _gru_cell(x, h, w_ih, w_hh, b_ih, b_hh):
    gi = x @ w_ih.T + b_ih
    gh = h @ w_hh.T + b_hh
    i_r, i_z, i_n = jnp.split(gi, 3, axis=-1)
    h_r, h_z, h_n = jnp.split(gh, 3, axis=-1)
    r = jax.nn.sigmoid(i_r + h_r)
    z = jax.nn.sigmoid(i_z + h_z)
    n = jnp.tanh(i_n + r * h_n)
    return (1.0 - z) * n + z * h


def reference(n_id, memory, last_update, w_ih, w_hh, b_ih, b_hh):
    # Faithful translation of TGNMemory.forward in training mode on a freshly
    # reset module: message stores are empty, so _compute_msg yields zero-length
    # message tensors and LastAggregator produces an all-zeros aggregate of
    # shape [|n_id|, out_channels]; the GRUCell then updates the gathered
    # memory rows, and scatter-max over an empty time tensor leaves
    # last_update output at zero.
    mem_n = jnp.take(memory, n_id, axis=0)                 # gather memory[n_id]
    aggr = jnp.zeros((n_id.shape[0], MSG_OUT), dtype=jnp.float32)
    new_mem = _gru_cell(aggr, mem_n, w_ih, w_hh, b_ih, b_hh)
    # scatter(t, idx, reduce='max') over empty t -> zeros[num_nodes]; then gather
    lu_full = jnp.zeros((NUM_NODES,), dtype=jnp.int32)
    new_last_update = jnp.take(lu_full, n_id, axis=0)
    return new_mem, new_last_update

if __name__ == "__main__":
    import jax
    _d = setup_inputs()
    print(jax.jit(kernel)(*tuple(_d.values())))

</pallas_src>

<mosaic_0001>
#map = affine_map<(d0, d1) -> (0, 0)>
#map1 = affine_map<(d0, d1) -> (0, 0, 0)>
module attributes {stable_mosaic.version = 14 : i64} {
  func.func @gather_kernel(%arg0: i32, %arg1: i32, %arg2: memref<100000x256xf32, #tpu.memory_space<hbm>>, %arg3: memref<32x16x40xi32, #tpu.memory_space<hbm>>, %arg4: memref<20480x256xf32, #tpu.memory_space<hbm>>, %arg5: memref<16x40xi32, #tpu.memory_space<vmem>>, %arg6: memref<40x256xf32, #tpu.memory_space<vmem>>, %arg7: memref<40x256xf32, #tpu.memory_space<vmem>>, %arg8: memref<40x256xf32, #tpu.memory_space<vmem>>, %arg9: memref<!tpu.dma_semaphore, #tpu.memory_space<semaphore_mem>>, %arg10: memref<!tpu.dma_semaphore, #tpu.memory_space<semaphore_mem>>, %arg11: memref<!tpu.dma_semaphore, #tpu.memory_space<semaphore_mem>>, %arg12: memref<!tpu.dma_semaphore, #tpu.memory_space<semaphore_mem>>, %arg13: memref<!tpu.dma_semaphore, #tpu.memory_space<semaphore_mem>>, %arg14: memref<!tpu.dma_semaphore, #tpu.memory_space<semaphore_mem>>) attributes {dimension_semantics = [#tpu.dimension_semantics<core_parallel>, #tpu.dimension_semantics<subcore_parallel>], iteration_bounds = array<i64: 2, 16>, scalar_prefetch = 0 : i64, scratch_operands = 10 : i64, tpu.core_type = #tpu.core_type<sc_vector_subcore>, window_params = [{transform_indices = #map}, {transform_indices = #map1}, {transform_indices = #map}]} {
    %mul3A = arith.constant 16 : i32
    %mul3A_0 = arith.muli %arg0, %mul3A : i32
    %add3A = arith.addi %mul3A_0, %arg1 : i32
    "tpu.region"() ({
      %run_scoped3A = tpu.sem_alloc : memref<!tpu.dma_semaphore, #tpu.memory_space<semaphore_mem>>
      %dma_start3A_543 = arith.constant 0 : i32
      %dma_start3A_544 = arith.constant 0 : i32
      %dma_start3A_545 = tpu.memref_slice %arg3[%add3A, %dma_start3A_543, %dma_start3A_544] : memref<32x16x40xi32, #tpu.memory_space<hbm>> -> memref<1x16x40xi32, #tpu.memory_space<hbm>>
      %dma_start3A_546 = tpu.memref_squeeze %dma_start3A_545 : memref<1x16x40xi32, #tpu.memory_space<hbm>> -> memref<16x40xi32, #tpu.memory_space<hbm>>
      %dma_start3A_547 = arith.constant 0 : i32
      %dma_start3A_548 = arith.constant 0 : i32
      %dma_start3A_549 = tpu.memref_slice %arg3[%add3A, %dma_start3A_547, %dma_start3A_548] : memref<32x16x40xi32, #tpu.memory_space<hbm>> -> memref<1x16x40xi32, #tpu.memory_space<hbm>>
      %dma_start3A_550 = tpu.memref_squeeze %dma_start3A_549 : memref<1x16x40xi32, #tpu.memory_space<hbm>> -> memref<16x40xi32, #tpu.memory_space<hbm>>
      tpu.enqueue_dma source(%dma_start3A_550 : memref<16x40xi32, #tpu.memory_space<hbm>>) target(%arg5 : memref<16x40xi32, #tpu.memory_space<vmem>>) target_semaphore(%run_scoped3A : memref<!tpu.dma_semaphore, #tpu.memory_space<semaphore_mem>>)
      %dma_wait3A_551 = arith.constant 0 : i32
      %dma_wait3A_552 = arith.constant 0 : i32
      %dma_wait3A_553 = tpu.memref_slice %arg3[%add3A, %dma_wait3A_551, %dma_wait3A_552] : memref<32x16x40xi32, #tpu.memory_space<hbm>> -> memref<1x16x40xi32, #tpu.memory_space<hbm>>
      %dma_wait3A_554 = tpu.memref_squeeze %dma_wait3A_553 : memref<1x16x40xi32, #tpu.memory_space<hbm>> -> memref<16x40xi32, #tpu.memory_space<hbm>>
      %dma_wait3A_555 = arith.constant 0 : i32
      %dma_wait3A_556 = arith.constant 0 : i32
      %dma_wait3A_557 = tpu.memref_slice %arg3[%add3A, %dma_wait3A_555, %dma_wait3A_556] : memref<32x16x40xi32, #tpu.memory_space<hbm>> -> memref<1x16x40xi32, #tpu.memory_space<hbm>>
      %dma_wait3A_558 = tpu.memref_squeeze %dma_wait3A_557 : memref<1x16x40xi32, #tpu.memory_space<hbm>> -> memref<16x40xi32, #tpu.memory_space<hbm>>
      tpu.wait_dma2 semaphore(%run_scoped3A : memref<!tpu.dma_semaphore, #tpu.memory_space<semaphore_mem>>) src(%dma_wait3A_558 : memref<16x40xi32, #tpu.memory_space<hbm>>) dst(%arg5 : memref<16x40xi32, #tpu.memory_space<vmem>>)
      tpu.yield
    }) : () -> ()
    %dma_start3A = arith.constant 0 : i32
    %dma_start3A_1 = arith.constant 0 : i32
    %dma_start3A_2 = tpu.memref_slice %arg5[%dma_start3A, %dma_start3A_1] : memref<16x40xi32, #tpu.memory_space<vmem>> -> memref<1x40xi32, #tpu.memory_space<vmem>>
    %dma_start3A_3 = tpu.memref_squeeze %dma_start3A_2 : memref<1x40xi32, #tpu.memory_space<vmem>> -> memref<40xi32, #tpu.memory_space<vmem>>
    %dma_start3A_4 = arith.constant 0 : i32
    %dma_start3A_5 = arith.constant 0 : i32
    %dma_start3A_6 = tpu.memref_slice %arg2[%dma_start3A_4, %dma_start3A_5] : memref<100000x256xf32, #tpu.memory_space<hbm>> -> memref<100000x256xf32, #tpu.memory_space<hbm>>
    tpu.enqueue_indirect_dma source(%dma_start3A_6 : memref<100000x256xf32, #tpu.memory_space<hbm>>) target(%arg6 : memref<40x256xf32, #tpu.memory_space<vmem>>) offsets(%dma_start3A_3 : memref<40xi32, #tpu.memory_space<vmem>>) semaphore(%arg9 : memref<!tpu.dma_semaphore, #tpu.memory_space<semaphore_mem>>)
    %dma_start3A_7 = arith.constant 1 : i32
    %dma_start3A_8 = arith.constant 0 : i32
    %dma_start3A_9 = tpu.memref_slice %arg5[%dma_start3A_7, %dma_start3A_8] : memref<16x40xi32, #tpu.memory_space<vmem>> -> memref<1x40xi32, #tpu.memory_space<vmem>>
    %dma_start3A_10 = tpu.memref_squeeze %dma_start3A_9 : memref<1x40xi32, #tpu.memory_space<vmem>> -> memref<40xi32, #tpu.memory_space<vmem>>
    %dma_start3A_11 = arith.constant 0 : i32
    %dma_start3A_12 = arith.constant 0 : i32
    %dma_start3A_13 = tpu.memref_slice %arg2[%dma_start3A_11, %dma_start3A_12] : memref<100000x256xf32, #tpu.memory_space<hbm>> -> memref<100000x256xf32, #tpu.memory_space<hbm>>
    tpu.enqueue_indirect_dma source(%dma_start3A_13 : memref<100000x256xf32, #tpu.memory_space<hbm>>) target(%arg7 : memref<40x256xf32, #tpu.memory_space<vmem>>) offsets(%dma_start3A_10 : memref<40xi32, #tpu.memory_space<vmem>>) semaphore(%arg10 : memref<!tpu.dma_semaphore, #tpu.memory_space<semaphore_mem>>)
    %dma_start3A_14 = arith.constant 2 : i32
    %dma_start3A_15 = arith.constant 0 : i32
    %dma_start3A_16 = tpu.memref_slice %arg5[%dma_start3A_14, %dma_start3A_15] : memref<16x40xi32, #tpu.memory_space<vmem>> -> memref<1x40xi32, #tpu.memory_space<vmem>>
    %dma_start3A_17 = tpu.memref_squeeze %dma_start3A_16 : memref<1x40xi32, #tpu.memory_space<vmem>> -> memref<40xi32, #tpu.memory_space<vmem>>
    %dma_start3A_18 = arith.constant 0 : i32
    %dma_start3A_19 = arith.constant 0 : i32
    %dma_start3A_20 = tpu.memref_slice %arg2[%dma_start3A_18, %dma_start3A_19] : memref<100000x256xf32, #tpu.memory_space<hbm>> -> memref<100000x256xf32, #tpu.memory_space<hbm>>
    tpu.enqueue_indirect_dma source(%dma_start3A_20 : memref<100000x256xf32, #tpu.memory_space<hbm>>) target(%arg8 : memref<40x256xf32, #tpu.memory_space<vmem>>) offsets(%dma_start3A_17 : memref<40xi32, #tpu.memory_space<vmem>>) semaphore(%arg11 : memref<!tpu.dma_semaphore, #tpu.memory_space<semaphore_mem>>)
    %dma_wait3A = arith.constant 0 : i32
    %dma_wait3A_21 = arith.constant 0 : i32
    %dma_wait3A_22 = tpu.memref_slice %arg5[%dma_wait3A, %dma_wait3A_21] : memref<16x40xi32, #tpu.memory_space<vmem>> -> memref<1x40xi32, #tpu.memory_space<vmem>>
    %dma_wait3A_23 = tpu.memref_squeeze %dma_wait3A_22 : memref<1x40xi32, #tpu.memory_space<vmem>> -> memref<40xi32, #tpu.memory_space<vmem>>
    %dma_wait3A_24 = arith.constant 0 : i32
    %dma_wait3A_25 = arith.constant 0 : i32
    %dma_wait3A_26 = tpu.memref_slice %arg2[%dma_wait3A_24, %dma_wait3A_25] : memref<100000x256xf32, #tpu.memory_space<hbm>> -> memref<100000x256xf32, #tpu.memory_space<hbm>>
    tpu.wait_indirect_dma semaphore(%arg9 : memref<!tpu.dma_semaphore, #tpu.memory_space<semaphore_mem>>) src(%dma_wait3A_26 : memref<100000x256xf32, #tpu.memory_space<hbm>>) dst(%arg6 : memref<40x256xf32, #tpu.memory_space<vmem>>)
    %mul3A_27 = arith.constant 16 : i32
    %mul3A_28 = arith.muli %add3A, %mul3A_27 : i32
    %add3A_29 = arith.constant 0 : i32
    %add3A_30 = arith.addi %mul3A_28, %add3A_29 : i32
    %mul3A_31 = arith.constant 40 : i32
    %mul3A_32 = arith.muli %add3A_30, %mul3A_31 : i32
    %dma_start3A_33 = arith.constant 0 : i32
    %dma_start3A_34 = tpu.memref_slice %arg4[%mul3A_32, %dma_start3A_33] : memref<20480x256xf32, #tpu.memory_space<hbm>> -> memref<40x256xf32, #tpu.memory_space<hbm>>
    %dma_start3A_35 = arith.constant 0 : i32
    %dma_start3A_36 = tpu.memref_slice %arg4[%mul3A_32, %dma_start3A_35] : memref<20480x256xf32, #tpu.memory_space<hbm>> -> memref<40x256xf32, #tpu.memory_space<hbm>>
    tpu.enqueue_dma source(%arg6 : memref<40x256xf32, #tpu.memory_space<vmem>>) target(%dma_start3A_36 : memref<40x256xf32, #tpu.memory_space<hbm>>) target_semaphore(%arg12 : memref<!tpu.dma_semaphore, #tpu.memory_space<semaphore_mem>>)
    %mul3A_37 = arith.constant 16 : i32
    %mul3A_38 = arith.muli %add3A, %mul3A_37 : i32
    %add3A_39 = arith.constant 0 : i32
    %add3A_40 = arith.addi %mul3A_38, %add3A_39 : i32
    %mul3A_41 = arith.constant 40 : i32
    %mul3A_42 = arith.muli %add3A_40, %mul3A_41 : i32
    %dma_wait3A_43 = arith.constant 0 : i32
    %dma_wait3A_44 = tpu.memref_slice %arg4[%mul3A_42, %dma_wait3A_43] : memref<20480x256xf32, #tpu.memory_space<hbm>> -> memref<40x256xf32, #tpu.memory_space<hbm>>
    %dma_wait3A_45 = arith.constant 0 : i32
    %dma_wait3A_46 = tpu.memref_slice %arg4[%mul3A_42, %dma_wait3A_45] : memref<20480x256xf32, #tpu.memory_space<hbm>> -> memref<40x256xf32, #tpu.memory_space<hbm>>
    tpu.wait_dma2 semaphore(%arg12 : memref<!tpu.dma_semaphore, #tpu.memory_space<semaphore_mem>>) src(%arg6 : memref<40x256xf32, #tpu.memory_space<vmem>>) dst(%dma_wait3A_46 : memref<40x256xf32, #tpu.memory_space<hbm>>)
    %dma_start3A_47 = arith.constant 3 : i32
    %dma_start3A_48 = arith.constant 0 : i32
    %dma_start3A_49 = tpu.memref_slice %arg5[%dma_start3A_47, %dma_start3A_48] : memref<16x40xi32, #tpu.memory_space<vmem>> -> memref<1x40xi32, #tpu.memory_space<vmem>>
    %dma_start3A_50 = tpu.memref_squeeze %dma_start3A_49 : memref<1x40xi32, #tpu.memory_space<vmem>> -> memref<40xi32, #tpu.memory_space<vmem>>
    %dma_start3A_51 = arith.constant 0 : i32
    %dma_start3A_52 = arith.constant 0 : i32
    %dma_start3A_53 = tpu.memref_slice %arg2[%dma_start3A_51, %dma_start3A_52] : memref<100000x256xf32, #tpu.memory_space<hbm>> -> memref<100000x256xf32, #tpu.memory_space<hbm>>
    tpu.enqueue_indirect_dma source(%dma_start3A_53 : memref<100000x256xf32, #tpu.memory_space<hbm>>) target(%arg6 : memref<40x256xf32, #tpu.memory_space<vmem>>) offsets(%dma_start3A_50 : memref<40xi32, #tpu.memory_space<vmem>>) semaphore(%arg9 : memref<!tpu.dma_semaphore, #tpu.memory_space<semaphore_mem>>)
    %dma_wait3A_54 = arith.constant 1 : i32
    %dma_wait3A_55 = arith.constant 0 : i32
    %dma_wait3A_56 = tpu.memref_slice %arg5[%dma_wait3A_54, %dma_wait3A_55] : memref<16x40xi32, #tpu.memory_space<vmem>> -> memref<1x40xi32, #tpu.memory_space<vmem>>
    %dma_wait3A_57 = tpu.memref_squeeze %dma_wait3A_56 : memref<1x40xi32, #tpu.memory_space<vmem>> -> memref<40xi32, #tpu.memory_space<vmem>>
    %dma_wait3A_58 = arith.constant 0 : i32
    %dma_wait3A_59 = arith.constant 0 : i32
    %dma_wait3A_60 = tpu.memref_slice %arg2[%dma_wait3A_58, %dma_wait3A_59] : memref<100000x256xf32, #tpu.memory_space<hbm>> -> memref<100000x256xf32, #tpu.memory_space<hbm>>
    tpu.wait_indirect_dma semaphore(%arg10 : memref<!tpu.dma_semaphore, #tpu.memory_space<semaphore_mem>>) src(%dma_wait3A_60 : memref<100000x256xf32, #tpu.memory_space<hbm>>) dst(%arg7 : memref<40x256xf32, #tpu.memory_space<vmem>>)
    %mul3A_61 = arith.constant 16 : i32
    %mul3A_62 = arith.muli %add3A, %mul3A_61 : i32
    %add3A_63 = arith.constant 1 : i32
    %add3A_64 = arith.addi %mul3A_62, %add3A_63 : i32
    %mul3A_65 = arith.constant 40 : i32
    %mul3A_66 = arith.muli %add3A_64, %mul3A_65 : i32
    %dma_start3A_67 = arith.constant 0 : i32
    %dma_start3A_68 = tpu.memref_slice %arg4[%mul3A_66, %dma_start3A_67] : memref<20480x256xf32, #tpu.memory_space<hbm>> -> memref<40x256xf32, #tpu.memory_space<hbm>>
    %dma_start3A_69 = arith.constant 0 : i32
    %dma_start3A_70 = tpu.memref_slice %arg4[%mul3A_66, %dma_start3A_69] : memref<20480x256xf32, #tpu.memory_space<hbm>> -> memref<40x256xf32, #tpu.memory_space<hbm>>
    tpu.enqueue_dma source(%arg7 : memref<40x256xf32, #tpu.memory_space<vmem>>) target(%dma_start3A_70 : memref<40x256xf32, #tpu.memory_space<hbm>>) target_semaphore(%arg13 : memref<!tpu.dma_semaphore, #tpu.memory_space<semaphore_mem>>)
    %mul3A_71 = arith.constant 16 : i32
    %mul3A_72 = arith.muli %add3A, %mul3A_71 : i32
    %add3A_73 = arith.constant 1 : i32
    %add3A_74 = arith.addi %mul3A_72, %add3A_73 : i32
    %mul3A_75 = arith.constant 40 : i32
    %mul3A_76 = arith.muli %add3A_74, %mul3A_75 : i32
    %dma_wait3A_77 = arith.constant 0 : i32
    %dma_wait3A_78 = tpu.memref_slice %arg4[%mul3A_76, %dma_wait3A_77] : memref<20480x256xf32, #tpu.memory_space<hbm>> -> memref<40x256xf32, #tpu.memory_space<hbm>>
    %dma_wait3A_79 = arith.constant 0 : i32
    %dma_wait3A_80 = tpu.memref_slice %arg4[%mul3A_76, %dma_wait3A_79] : memref<20480x256xf32, #tpu.memory_space<hbm>> -> memref<40x256xf32, #tpu.memory_space<hbm>>
    tpu.wait_dma2 semaphore(%arg13 : memref<!tpu.dma_semaphore, #tpu.memory_space<semaphore_mem>>) src(%arg7 : memref<40x256xf32, #tpu.memory_space<vmem>>) dst(%dma_wait3A_80 : memref<40x256xf32, #tpu.memory_space<hbm>>)
    %dma_start3A_81 = arith.constant 4 : i32
    %dma_start3A_82 = arith.constant 0 : i32
    %dma_start3A_83 = tpu.memref_slice %arg5[%dma_start3A_81, %dma_start3A_82] : memref<16x40xi32, #tpu.memory_space<vmem>> -> memref<1x40xi32, #tpu.memory_space<vmem>>
    %dma_start3A_84 = tpu.memref_squeeze %dma_start3A_83 : memref<1x40xi32, #tpu.memory_space<vmem>> -> memref<40xi32, #tpu.memory_space<vmem>>
    %dma_start3A_85 = arith.constant 0 : i32
    %dma_start3A_86 = arith.constant 0 : i32
    %dma_start3A_87 = tpu.memref_slice %arg2[%dma_start3A_85, %dma_start3A_86] : memref<100000x256xf32, #tpu.memory_space<hbm>> -> memref<100000x256xf32, #tpu.memory_space<hbm>>
    tpu.enqueue_indirect_dma source(%dma_start3A_87 : memref<100000x256xf32, #tpu.memory_space<hbm>>) target(%arg7 : memref<40x256xf32, #tpu.memory_space<vmem>>) offsets(%dma_start3A_84 : memref<40xi32, #tpu.memory_space<vmem>>) semaphore(%arg10 : memref<!tpu.dma_semaphore, #tpu.memory_space<semaphore_mem>>)
    %dma_wait3A_88 = arith.constant 2 : i32
    %dma_wait3A_89 = arith.constant 0 : i32
    %dma_wait3A_90 = tpu.memref_slice %arg5[%dma_wait3A_88, %dma_wait3A_89] : memref<16x40xi32, #tpu.memory_space<vmem>> -> memref<1x40xi32, #tpu.memory_space<vmem>>
    %dma_wait3A_91 = tpu.memref_squeeze %dma_wait3A_90 : memref<1x40xi32, #tpu.memory_space<vmem>> -> memref<40xi32, #tpu.memory_space<vmem>>
    %dma_wait3A_92 = arith.constant 0 : i32
    %dma_wait3A_93 = arith.constant 0 : i32
    %dma_wait3A_94 = tpu.memref_slice %arg2[%dma_wait3A_92, %dma_wait3A_93] : memref<100000x256xf32, #tpu.memory_space<hbm>> -> memref<100000x256xf32, #tpu.memory_space<hbm>>
    tpu.wait_indirect_dma semaphore(%arg11 : memref<!tpu.dma_semaphore, #tpu.memory_space<semaphore_mem>>) src(%dma_wait3A_94 : memref<100000x256xf32, #tpu.memory_space<hbm>>) dst(%arg8 : memref<40x256xf32, #tpu.memory_space<vmem>>)
    %mul3A_95 = arith.constant 16 : i32
    %mul3A_96 = arith.muli %add3A, %mul3A_95 : i32
    %add3A_97 = arith.constant 2 : i32
    %add3A_98 = arith.addi %mul3A_96, %add3A_97 : i32
    %mul3A_99 = arith.constant 40 : i32
    %mul3A_100 = arith.muli %add3A_98, %mul3A_99 : i32
    %dma_start3A_101 = arith.constant 0 : i32
    %dma_start3A_102 = tpu.memref_slice %arg4[%mul3A_100, %dma_start3A_101] : memref<20480x256xf32, #tpu.memory_space<hbm>> -> memref<40x256xf32, #tpu.memory_space<hbm>>
    %dma_start3A_103 = arith.constant 0 : i32
    %dma_start3A_104 = tpu.memref_slice %arg4[%mul3A_100, %dma_start3A_103] : memref<20480x256xf32, #tpu.memory_space<hbm>> -> memref<40x256xf32, #tpu.memory_space<hbm>>
    tpu.enqueue_dma source(%arg8 : memref<40x256xf32, #tpu.memory_space<vmem>>) target(%dma_start3A_104 : memref<40x256xf32, #tpu.memory_space<hbm>>) target_semaphore(%arg14 : memref<!tpu.dma_semaphore, #tpu.memory_space<semaphore_mem>>)
    %mul3A_105 = arith.constant 16 : i32
    %mul3A_106 = arith.muli %add3A, %mul3A_105 : i32
    %add3A_107 = arith.constant 2 : i32
    %add3A_108 = arith.addi %mul3A_106, %add3A_107 : i32
    %mul3A_109 = arith.constant 40 : i32
    %mul3A_110 = arith.muli %add3A_108, %mul3A_109 : i32
    %dma_wait3A_111 = arith.constant 0 : i32
    %dma_wait3A_112 = tpu.memref_slice %arg4[%mul3A_110, %dma_wait3A_111] : memref<20480x256xf32, #tpu.memory_space<hbm>> -> memref<40x256xf32, #tpu.memory_space<hbm>>
    %dma_wait3A_113 = arith.constant 0 : i32
    %dma_wait3A_114 = tpu.memref_slice %arg4[%mul3A_110, %dma_wait3A_113] : memref<20480x256xf32, #tpu.memory_space<hbm>> -> memref<40x256xf32, #tpu.memory_space<hbm>>
    tpu.wait_dma2 semaphore(%arg14 : memref<!tpu.dma_semaphore, #tpu.memory_space<semaphore_mem>>) src(%arg8 : memref<40x256xf32, #tpu.memory_space<vmem>>) dst(%dma_wait3A_114 : memref<40x256xf32, #tpu.memory_space<hbm>>)
    %dma_start3A_115 = arith.constant 5 : i32
    %dma_start3A_116 = arith.constant 0 : i32
    %dma_start3A_117 = tpu.memref_slice %arg5[%dma_start3A_115, %dma_start3A_116] : memref<16x40xi32, #tpu.memory_space<vmem>> -> memref<1x40xi32, #tpu.memory_space<vmem>>
    %dma_start3A_118 = tpu.memref_squeeze %dma_start3A_117 : memref<1x40xi32, #tpu.memory_space<vmem>> -> memref<40xi32, #tpu.memory_space<vmem>>
    %dma_start3A_119 = arith.constant 0 : i32
    %dma_start3A_120 = arith.constant 0 : i32
    %dma_start3A_121 = tpu.memref_slice %arg2[%dma_start3A_119, %dma_start3A_120] : memref<100000x256xf32, #tpu.memory_space<hbm>> -> memref<100000x256xf32, #tpu.memory_space<hbm>>
    tpu.enqueue_indirect_dma source(%dma_start3A_121 : memref<100000x256xf32, #tpu.memory_space<hbm>>) target(%arg8 : memref<40x256xf32, #tpu.memory_space<vmem>>) offsets(%dma_start3A_118 : memref<40xi32, #tpu.memory_space<vmem>>) semaphore(%arg11 : memref<!tpu.dma_semaphore, #tpu.memory_space<semaphore_mem>>)
    %dma_wait3A_122 = arith.constant 3 : i32
    %dma_wait3A_123 = arith.constant 0 : i32
    %dma_wait3A_124 = tpu.memref_slice %arg5[%dma_wait3A_122, %dma_wait3A_123] : memref<16x40xi32, #tpu.memory_space<vmem>> -> memref<1x40xi32, #tpu.memory_space<vmem>>
    %dma_wait3A_125 = tpu.memref_squeeze %dma_wait3A_124 : memref<1x40xi32, #tpu.memory_space<vmem>> -> memref<40xi32, #tpu.memory_space<vmem>>
    %dma_wait3A_126 = arith.constant 0 : i32
    %dma_wait3A_127 = arith.constant 0 : i32
    %dma_wait3A_128 = tpu.memref_slice %arg2[%dma_wait3A_126, %dma_wait3A_127] : memref<100000x256xf32, #tpu.memory_space<hbm>> -> memref<100000x256xf32, #tpu.memory_space<hbm>>
    tpu.wait_indirect_dma semaphore(%arg9 : memref<!tpu.dma_semaphore, #tpu.memory_space<semaphore_mem>>) src(%dma_wait3A_128 : memref<100000x256xf32, #tpu.memory_space<hbm>>) dst(%arg6 : memref<40x256xf32, #tpu.memory_space<vmem>>)
    %mul3A_129 = arith.constant 16 : i32
    %mul3A_130 = arith.muli %add3A, %mul3A_129 : i32
    %add3A_131 = arith.constant 3 : i32
    %add3A_132 = arith.addi %mul3A_130, %add3A_131 : i32
    %mul3A_133 = arith.constant 40 : i32
    %mul3A_134 = arith.muli %add3A_132, %mul3A_133 : i32
    %dma_start3A_135 = arith.constant 0 : i32
    %dma_start3A_136 = tpu.memref_slice %arg4[%mul3A_134, %dma_start3A_135] : memref<20480x256xf32, #tpu.memory_space<hbm>> -> memref<40x256xf32, #tpu.memory_space<hbm>>
    %dma_start3A_137 = arith.constant 0 : i32
    %dma_start3A_138 = tpu.memref_slice %arg4[%mul3A_134, %dma_start3A_137] : memref<20480x256xf32, #tpu.memory_space<hbm>> -> memref<40x256xf32, #tpu.memory_space<hbm>>
    tpu.enqueue_dma source(%arg6 : memref<40x256xf32, #tpu.memory_space<vmem>>) target(%dma_start3A_138 : memref<40x256xf32, #tpu.memory_space<hbm>>) target_semaphore(%arg12 : memref<!tpu.dma_semaphore, #tpu.memory_space<semaphore_mem>>)
    %mul3A_139 = arith.constant 16 : i32
    %mul3A_140 = arith.muli %add3A, %mul3A_139 : i32
    %add3A_141 = arith.constant 3 : i32
    %add3A_142 = arith.addi %mul3A_140, %add3A_141 : i32
    %mul3A_143 = arith.constant 40 : i32
    %mul3A_144 = arith.muli %add3A_142, %mul3A_143 : i32
    %dma_wait3A_145 = arith.constant 0 : i32
    %dma_wait3A_146 = tpu.memref_slice %arg4[%mul3A_144, %dma_wait3A_145] : memref<20480x256xf32, #tpu.memory_space<hbm>> -> memref<40x256xf32, #tpu.memory_space<hbm>>
    %dma_wait3A_147 = arith.constant 0 : i32
    %dma_wait3A_148 = tpu.memref_slice %arg4[%mul3A_144, %dma_wait3A_147] : memref<20480x256xf32, #tpu.memory_space<hbm>> -> memref<40x256xf32, #tpu.memory_space<hbm>>
    tpu.wait_dma2 semaphore(%arg12 : memref<!tpu.dma_semaphore, #tpu.memory_space<semaphore_mem>>) src(%arg6 : memref<40x256xf32, #tpu.memory_space<vmem>>) dst(%dma_wait3A_148 : memref<40x256xf32, #tpu.memory_space<hbm>>)
    %dma_start3A_149 = arith.constant 6 : i32
    %dma_start3A_150 = arith.constant 0 : i32
    %dma_start3A_151 = tpu.memref_slice %arg5[%dma_start3A_149, %dma_start3A_150] : memref<16x40xi32, #tpu.memory_space<vmem>> -> memref<1x40xi32, #tpu.memory_space<vmem>>
    %dma_start3A_152 = tpu.memref_squeeze %dma_start3A_151 : memref<1x40xi32, #tpu.memory_space<vmem>> -> memref<40xi32, #tpu.memory_space<vmem>>
    %dma_start3A_153 = arith.constant 0 : i32
    %dma_start3A_154 = arith.constant 0 : i32
    %dma_start3A_155 = tpu.memref_slice %arg2[%dma_start3A_153, %dma_start3A_154] : memref<100000x256xf32, #tpu.memory_space<hbm>> -> memref<100000x256xf32, #tpu.memory_space<hbm>>
    tpu.enqueue_indirect_dma source(%dma_start3A_155 : memref<100000x256xf32, #tpu.memory_space<hbm>>) target(%arg6 : memref<40x256xf32, #tpu.memory_space<vmem>>) offsets(%dma_start3A_152 : memref<40xi32, #tpu.memory_space<vmem>>) semaphore(%arg9 : memref<!tpu.dma_semaphore, #tpu.memory_space<semaphore_mem>>)
    %dma_wait3A_156 = arith.constant 4 : i32
    %dma_wait3A_157 = arith.constant 0 : i32
    %dma_wait3A_158 = tpu.memref_slice %arg5[%dma_wait3A_156, %dma_wait3A_157] : memref<16x40xi32, #tpu.memory_space<vmem>> -> memref<1x40xi32, #tpu.memory_space<vmem>>
    %dma_wait3A_159 = tpu.memref_squeeze %dma_wait3A_158 : memref<1x40xi32, #tpu.memory_space<vmem>> -> memref<40xi32, #tpu.memory_space<vmem>>
    %dma_wait3A_160 = arith.constant 0 : i32
    %dma_wait3A_161 = arith.constant 0 : i32
    %dma_wait3A_162 = tpu.memref_slice %arg2[%dma_wait3A_160, %dma_wait3A_161] : memref<100000x256xf32, #tpu.memory_space<hbm>> -> memref<100000x256xf32, #tpu.memory_space<hbm>>
    tpu.wait_indirect_dma semaphore(%arg10 : memref<!tpu.dma_semaphore, #tpu.memory_space<semaphore_mem>>) src(%dma_wait3A_162 : memref<100000x256xf32, #tpu.memory_space<hbm>>) dst(%arg7 : memref<40x256xf32, #tpu.memory_space<vmem>>)
    %mul3A_163 = arith.constant 16 : i32
    %mul3A_164 = arith.muli %add3A, %mul3A_163 : i32
    %add3A_165 = arith.constant 4 : i32
    %add3A_166 = arith.addi %mul3A_164, %add3A_165 : i32
    %mul3A_167 = arith.constant 40 : i32
    %mul3A_168 = arith.muli %add3A_166, %mul3A_167 : i32
    %dma_start3A_169 = arith.constant 0 : i32
    %dma_start3A_170 = tpu.memref_slice %arg4[%mul3A_168, %dma_start3A_169] : memref<20480x256xf32, #tpu.memory_space<hbm>> -> memref<40x256xf32, #tpu.memory_space<hbm>>
    %dma_start3A_171 = arith.constant 0 : i32
    %dma_start3A_172 = tpu.memref_slice %arg4[%mul3A_168, %dma_start3A_171] : memref<20480x256xf32, #tpu.memory_space<hbm>> -> memref<40x256xf32, #tpu.memory_space<hbm>>
    tpu.enqueue_dma source(%arg7 : memref<40x256xf32, #tpu.memory_space<vmem>>) target(%dma_start3A_172 : memref<40x256xf32, #tpu.memory_space<hbm>>) target_semaphore(%arg13 : memref<!tpu.dma_semaphore, #tpu.memory_space<semaphore_mem>>)
    %mul3A_173 = arith.constant 16 : i32
    %mul3A_174 = arith.muli %add3A, %mul3A_173 : i32
    %add3A_175 = arith.constant 4 : i32
    %add3A_176 = arith.addi %mul3A_174, %add3A_175 : i32
    %mul3A_177 = arith.constant 40 : i32
    %mul3A_178 = arith.muli %add3A_176, %mul3A_177 : i32
    %dma_wait3A_179 = arith.constant 0 : i32
    %dma_wait3A_180 = tpu.memref_slice %arg4[%mul3A_178, %dma_wait3A_179] : memref<20480x256xf32, #tpu.memory_space<hbm>> -> memref<40x256xf32, #tpu.memory_space<hbm>>
    %dma_wait3A_181 = arith.constant 0 : i32
    %dma_wait3A_182 = tpu.memref_slice %arg4[%mul3A_178, %dma_wait3A_181] : memref<20480x256xf32, #tpu.memory_space<hbm>> -> memref<40x256xf32, #tpu.memory_space<hbm>>
    tpu.wait_dma2 semaphore(%arg13 : memref<!tpu.dma_semaphore, #tpu.memory_space<semaphore_mem>>) src(%arg7 : memref<40x256xf32, #tpu.memory_space<vmem>>) dst(%dma_wait3A_182 : memref<40x256xf32, #tpu.memory_space<hbm>>)
    %dma_start3A_183 = arith.constant 7 : i32
    %dma_start3A_184 = arith.constant 0 : i32
    %dma_start3A_185 = tpu.memref_slice %arg5[%dma_start3A_183, %dma_start3A_184] : memref<16x40xi32, #tpu.memory_space<vmem>> -> memref<1x40xi32, #tpu.memory_space<vmem>>
    %dma_start3A_186 = tpu.memref_squeeze %dma_start3A_185 : memref<1x40xi32, #tpu.memory_space<vmem>> -> memref<40xi32, #tpu.memory_space<vmem>>
    %dma_start3A_187 = arith.constant 0 : i32
    %dma_start3A_188 = arith.constant 0 : i32
    %dma_start3A_189 = tpu.memref_slice %arg2[%dma_start3A_187, %dma_start3A_188] : memref<100000x256xf32, #tpu.memory_space<hbm>> -> memref<100000x256xf32, #tpu.memory_space<hbm>>
    tpu.enqueue_indirect_dma source(%dma_start3A_189 : memref<100000x256xf32, #tpu.memory_space<hbm>>) target(%arg7 : memref<40x256xf32, #tpu.memory_space<vmem>>) offsets(%dma_start3A_186 : memref<40xi32, #tpu.memory_space<vmem>>) semaphore(%arg10 : memref<!tpu.dma_semaphore, #tpu.memory_space<semaphore_mem>>)
    %dma_wait3A_190 = arith.constant 5 : i32
    %dma_wait3A_191 = arith.constant 0 : i32
    %dma_wait3A_192 = tpu.memref_slice %arg5[%dma_wait3A_190, %dma_wait3A_191] : memref<16x40xi32, #tpu.memory_space<vmem>> -> memref<1x40xi32, #tpu.memory_space<vmem>>
    %dma_wait3A_193 = tpu.memref_squeeze %dma_wait3A_192 : memref<1x40xi32, #tpu.memory_space<vmem>> -> memref<40xi32, #tpu.memory_space<vmem>>
    %dma_wait3A_194 = arith.constant 0 : i32
    %dma_wait3A_195 = arith.constant 0 : i32
    %dma_wait3A_196 = tpu.memref_slice %arg2[%dma_wait3A_194, %dma_wait3A_195] : memref<100000x256xf32, #tpu.memory_space<hbm>> -> memref<100000x256xf32, #tpu.memory_space<hbm>>
    tpu.wait_indirect_dma semaphore(%arg11 : memref<!tpu.dma_semaphore, #tpu.memory_space<semaphore_mem>>) src(%dma_wait3A_196 : memref<100000x256xf32, #tpu.memory_space<hbm>>) dst(%arg8 : memref<40x256xf32, #tpu.memory_space<vmem>>)
    %mul3A_197 = arith.constant 16 : i32
    %mul3A_198 = arith.muli %add3A, %mul3A_197 : i32
    %add3A_199 = arith.constant 5 : i32
    %add3A_200 = arith.addi %mul3A_198, %add3A_199 : i32
    %mul3A_201 = arith.constant 40 : i32
    %mul3A_202 = arith.muli %add3A_200, %mul3A_201 : i32
    %dma_start3A_203 = arith.constant 0 : i32
    %dma_start3A_204 = tpu.memref_slice %arg4[%mul3A_202, %dma_start3A_203] : memref<20480x256xf32, #tpu.memory_space<hbm>> -> memref<40x256xf32, #tpu.memory_space<hbm>>
    %dma_start3A_205 = arith.constant 0 : i32
    %dma_start3A_206 = tpu.memref_slice %arg4[%mul3A_202, %dma_start3A_205] : memref<20480x256xf32, #tpu.memory_space<hbm>> -> memref<40x256xf32, #tpu.memory_space<hbm>>
    tpu.enqueue_dma source(%arg8 : memref<40x256xf32, #tpu.memory_space<vmem>>) target(%dma_start3A_206 : memref<40x256xf32, #tpu.memory_space<hbm>>) target_semaphore(%arg14 : memref<!tpu.dma_semaphore, #tpu.memory_space<semaphore_mem>>)
    %mul3A_207 = arith.constant 16 : i32
    %mul3A_208 = arith.muli %add3A, %mul3A_207 : i32
    %add3A_209 = arith.constant 5 : i32
    %add3A_210 = arith.addi %mul3A_208, %add3A_209 : i32
    %mul3A_211 = arith.constant 40 : i32
    %mul3A_212 = arith.muli %add3A_210, %mul3A_211 : i32
    %dma_wait3A_213 = arith.constant 0 : i32
    %dma_wait3A_214 = tpu.memref_slice %arg4[%mul3A_212, %dma_wait3A_213] : memref<20480x256xf32, #tpu.memory_space<hbm>> -> memref<40x256xf32, #tpu.memory_space<hbm>>
    %dma_wait3A_215 = arith.constant 0 : i32
    %dma_wait3A_216 = tpu.memref_slice %arg4[%mul3A_212, %dma_wait3A_215] : memref<20480x256xf32, #tpu.memory_space<hbm>> -> memref<40x256xf32, #tpu.memory_space<hbm>>
    tpu.wait_dma2 semaphore(%arg14 : memref<!tpu.dma_semaphore, #tpu.memory_space<semaphore_mem>>) src(%arg8 : memref<40x256xf32, #tpu.memory_space<vmem>>) dst(%dma_wait3A_216 : memref<40x256xf32, #tpu.memory_space<hbm>>)
    %dma_start3A_217 = arith.constant 8 : i32
    %dma_start3A_218 = arith.constant 0 : i32
    %dma_start3A_219 = tpu.memref_slice %arg5[%dma_start3A_217, %dma_start3A_218] : memref<16x40xi32, #tpu.memory_space<vmem>> -> memref<1x40xi32, #tpu.memory_space<vmem>>
    %dma_start3A_220 = tpu.memref_squeeze %dma_start3A_219 : memref<1x40xi32, #tpu.memory_space<vmem>> -> memref<40xi32, #tpu.memory_space<vmem>>
    %dma_start3A_221 = arith.constant 0 : i32
    %dma_start3A_222 = arith.constant 0 : i32
    %dma_start3A_223 = tpu.memref_slice %arg2[%dma_start3A_221, %dma_start3A_222] : memref<100000x256xf32, #tpu.memory_space<hbm>> -> memref<100000x256xf32, #tpu.memory_space<hbm>>
    tpu.enqueue_indirect_dma source(%dma_start3A_223 : memref<100000x256xf32, #tpu.memory_space<hbm>>) target(%arg8 : memref<40x256xf32, #tpu.memory_space<vmem>>) offsets(%dma_start3A_220 : memref<40xi32, #tpu.memory_space<vmem>>) semaphore(%arg11 : memref<!tpu.dma_semaphore, #tpu.memory_space<semaphore_mem>>)
    %dma_wait3A_224 = arith.constant 6 : i32
    %dma_wait3A_225 = arith.constant 0 : i32
    %dma_wait3A_226 = tpu.memref_slice %arg5[%dma_wait3A_224, %dma_wait3A_225] : memref<16x40xi32, #tpu.memory_space<vmem>> -> memref<1x40xi32, #tpu.memory_space<vmem>>
    %dma_wait3A_227 = tpu.memref_squeeze %dma_wait3A_226 : memref<1x40xi32, #tpu.memory_space<vmem>> -> memref<40xi32, #tpu.memory_space<vmem>>
    %dma_wait3A_228 = arith.constant 0 : i32
    %dma_wait3A_229 = arith.constant 0 : i32
    %dma_wait3A_230 = tpu.memref_slice %arg2[%dma_wait3A_228, %dma_wait3A_229] : memref<100000x256xf32, #tpu.memory_space<hbm>> -> memref<100000x256xf32, #tpu.memory_space<hbm>>
    tpu.wait_indirect_dma semaphore(%arg9 : memref<!tpu.dma_semaphore, #tpu.memory_space<semaphore_mem>>) src(%dma_wait3A_230 : memref<100000x256xf32, #tpu.memory_space<hbm>>) dst(%arg6 : memref<40x256xf32, #tpu.memory_space<vmem>>)
    %mul3A_231 = arith.constant 16 : i32
    %mul3A_232 = arith.muli %add3A, %mul3A_231 : i32
    %add3A_233 = arith.constant 6 : i32
    %add3A_234 = arith.addi %mul3A_232, %add3A_233 : i32
    %mul3A_235 = arith.constant 40 : i32
    %mul3A_236 = arith.muli %add3A_234, %mul3A_235 : i32
    %dma_start3A_237 = arith.constant 0 : i32
    %dma_start3A_238 = tpu.memref_slice %arg4[%mul3A_236, %dma_start3A_237] : memref<20480x256xf32, #tpu.memory_space<hbm>> -> memref<40x256xf32, #tpu.memory_space<hbm>>
    %dma_start3A_239 = arith.constant 0 : i32
    %dma_start3A_240 = tpu.memref_slice %arg4[%mul3A_236, %dma_start3A_239] : memref<20480x256xf32, #tpu.memory_space<hbm>> -> memref<40x256xf32, #tpu.memory_space<hbm>>
    tpu.enqueue_dma source(%arg6 : memref<40x256xf32, #tpu.memory_space<vmem>>) target(%dma_start3A_240 : memref<40x256xf32, #tpu.memory_space<hbm>>) target_semaphore(%arg12 : memref<!tpu.dma_semaphore, #tpu.memory_space<semaphore_mem>>)
    %mul3A_241 = arith.constant 16 : i32
    %mul3A_242 = arith.muli %add3A, %mul3A_241 : i32
    %add3A_243 = arith.constant 6 : i32
    %add3A_244 = arith.addi %mul3A_242, %add3A_243 : i32
    %mul3A_245 = arith.constant 40 : i32
    %mul3A_246 = arith.muli %add3A_244, %mul3A_245 : i32
    %dma_wait3A_247 = arith.constant 0 : i32
    %dma_wait3A_248 = tpu.memref_slice %arg4[%mul3A_246, %dma_wait3A_247] : memref<20480x256xf32, #tpu.memory_space<hbm>> -> memref<40x256xf32, #tpu.memory_space<hbm>>
    %dma_wait3A_249 = arith.constant 0 : i32
    %dma_wait3A_250 = tpu.memref_slice %arg4[%mul3A_246, %dma_wait3A_249] : memref<20480x256xf32, #tpu.memory_space<hbm>> -> memref<40x256xf32, #tpu.memory_space<hbm>>
    tpu.wait_dma2 semaphore(%arg12 : memref<!tpu.dma_semaphore, #tpu.memory_space<semaphore_mem>>) src(%arg6 : memref<40x256xf32, #tpu.memory_space<vmem>>) dst(%dma_wait3A_250 : memref<40x256xf32, #tpu.memory_space<hbm>>)
    %dma_start3A_251 = arith.constant 9 : i32
    %dma_start3A_252 = arith.constant 0 : i32
    %dma_start3A_253 = tpu.memref_slice %arg5[%dma_start3A_251, %dma_start3A_252] : memref<16x40xi32, #tpu.memory_space<vmem>> -> memref<1x40xi32, #tpu.memory_space<vmem>>
    %dma_start3A_254 = tpu.memref_squeeze %dma_start3A_253 : memref<1x40xi32, #tpu.memory_space<vmem>> -> memref<40xi32, #tpu.memory_space<vmem>>
    %dma_start3A_255 = arith.constant 0 : i32
    %dma_start3A_256 = arith.constant 0 : i32
    %dma_start3A_257 = tpu.memref_slice %arg2[%dma_start3A_255, %dma_start3A_256] : memref<100000x256xf32, #tpu.memory_space<hbm>> -> memref<100000x256xf32, #tpu.memory_space<hbm>>
    tpu.enqueue_indirect_dma source(%dma_start3A_257 : memref<100000x256xf32, #tpu.memory_space<hbm>>) target(%arg6 : memref<40x256xf32, #tpu.memory_space<vmem>>) offsets(%dma_start3A_254 : memref<40xi32, #tpu.memory_space<vmem>>) semaphore(%arg9 : memref<!tpu.dma_semaphore, #tpu.memory_space<semaphore_mem>>)
    %dma_wait3A_258 = arith.constant 7 : i32
    %dma_wait3A_259 = arith.constant 0 : i32
    %dma_wait3A_260 = tpu.memref_slice %arg5[%dma_wait3A_258, %dma_wait3A_259] : memref<16x40xi32, #tpu.memory_space<vmem>> -> memref<1x40xi32, #tpu.memory_space<vmem>>
    %dma_wait3A_261 = tpu.memref_squeeze %dma_wait3A_260 : memref<1x40xi32, #tpu.memory_space<vmem>> -> memref<40xi32, #tpu.memory_space<vmem>>
    %dma_wait3A_262 = arith.constant 0 : i32
    %dma_wait3A_263 = arith.constant 0 : i32
    %dma_wait3A_264 = tpu.memref_slice %arg2[%dma_wait3A_262, %dma_wait3A_263] : memref<100000x256xf32, #tpu.memory_space<hbm>> -> memref<100000x256xf32, #tpu.memory_space<hbm>>
    tpu.wait_indirect_dma semaphore(%arg10 : memref<!tpu.dma_semaphore, #tpu.memory_space<semaphore_mem>>) src(%dma_wait3A_264 : memref<100000x256xf32, #tpu.memory_space<hbm>>) dst(%arg7 : memref<40x256xf32, #tpu.memory_space<vmem>>)
    %mul3A_265 = arith.constant 16 : i32
    %mul3A_266 = arith.muli %add3A, %mul3A_265 : i32
    %add3A_267 = arith.constant 7 : i32
    %add3A_268 = arith.addi %mul3A_266, %add3A_267 : i32
    %mul3A_269 = arith.constant 40 : i32
    %mul3A_270 = arith.muli %add3A_268, %mul3A_269 : i32
    %dma_start3A_271 = arith.constant 0 : i32
    %dma_start3A_272 = tpu.memref_slice %arg4[%mul3A_270, %dma_start3A_271] : memref<20480x256xf32, #tpu.memory_space<hbm>> -> memref<40x256xf32, #tpu.memory_space<hbm>>
    %dma_start3A_273 = arith.constant 0 : i32
    %dma_start3A_274 = tpu.memref_slice %arg4[%mul3A_270, %dma_start3A_273] : memref<20480x256xf32, #tpu.memory_space<hbm>> -> memref<40x256xf32, #tpu.memory_space<hbm>>
    tpu.enqueue_dma source(%arg7 : memref<40x256xf32, #tpu.memory_space<vmem>>) target(%dma_start3A_274 : memref<40x256xf32, #tpu.memory_space<hbm>>) target_semaphore(%arg13 : memref<!tpu.dma_semaphore, #tpu.memory_space<semaphore_mem>>)
    %mul3A_275 = arith.constant 16 : i32
    %mul3A_276 = arith.muli %add3A, %mul3A_275 : i32
    %add3A_277 = arith.constant 7 : i32
    %add3A_278 = arith.addi %mul3A_276, %add3A_277 : i32
    %mul3A_279 = arith.constant 40 : i32
    %mul3A_280 = arith.muli %add3A_278, %mul3A_279 : i32
    %dma_wait3A_281 = arith.constant 0 : i32
    %dma_wait3A_282 = tpu.memref_slice %arg4[%mul3A_280, %dma_wait3A_281] : memref<20480x256xf32, #tpu.memory_space<hbm>> -> memref<40x256xf32, #tpu.memory_space<hbm>>
    %dma_wait3A_283 = arith.constant 0 : i32
    %dma_wait3A_284 = tpu.memref_slice %arg4[%mul3A_280, %dma_wait3A_283] : memref<20480x256xf32, #tpu.memory_space<hbm>> -> memref<40x256xf32, #tpu.memory_space<hbm>>
    tpu.wait_dma2 semaphore(%arg13 : memref<!tpu.dma_semaphore, #tpu.memory_space<semaphore_mem>>) src(%arg7 : memref<40x256xf32, #tpu.memory_space<vmem>>) dst(%dma_wait3A_284 : memref<40x256xf32, #tpu.memory_space<hbm>>)
    %dma_start3A_285 = arith.constant 10 : i32
    %dma_start3A_286 = arith.constant 0 : i32
    %dma_start3A_287 = tpu.memref_slice %arg5[%dma_start3A_285, %dma_start3A_286] : memref<16x40xi32, #tpu.memory_space<vmem>> -> memref<1x40xi32, #tpu.memory_space<vmem>>
    %dma_start3A_288 = tpu.memref_squeeze %dma_start3A_287 : memref<1x40xi32, #tpu.memory_space<vmem>> -> memref<40xi32, #tpu.memory_space<vmem>>
    %dma_start3A_289 = arith.constant 0 : i32
    %dma_start3A_290 = arith.constant 0 : i32
    %dma_start3A_291 = tpu.memref_slice %arg2[%dma_start3A_289, %dma_start3A_290] : memref<100000x256xf32, #tpu.memory_space<hbm>> -> memref<100000x256xf32, #tpu.memory_space<hbm>>
    tpu.enqueue_indirect_dma source(%dma_start3A_291 : memref<100000x256xf32, #tpu.memory_space<hbm>>) target(%arg7 : memref<40x256xf32, #tpu.memory_space<vmem>>) offsets(%dma_start3A_288 : memref<40xi32, #tpu.memory_space<vmem>>) semaphore(%arg10 : memref<!tpu.dma_semaphore, #tpu.memory_space<semaphore_mem>>)
    %dma_wait3A_292 = arith.constant 8 : i32
    %dma_wait3A_293 = arith.constant 0 : i32
    %dma_wait3A_294 = tpu.memref_slice %arg5[%dma_wait3A_292, %dma_wait3A_293] : memref<16x40xi32, #tpu.memory_space<vmem>> -> memref<1x40xi32, #tpu.memory_space<vmem>>
    %dma_wait3A_295 = tpu.memref_squeeze %dma_wait3A_294 : memref<1x40xi32, #tpu.memory_space<vmem>> -> memref<40xi32, #tpu.memory_space<vmem>>
    %dma_wait3A_296 = arith.constant 0 : i32
    %dma_wait3A_297 = arith.constant 0 : i32
    %dma_wait3A_298 = tpu.memref_slice %arg2[%dma_wait3A_296, %dma_wait3A_297] : memref<100000x256xf32, #tpu.memory_space<hbm>> -> memref<100000x256xf32, #tpu.memory_space<hbm>>
    tpu.wait_indirect_dma semaphore(%arg11 : memref<!tpu.dma_semaphore, #tpu.memory_space<semaphore_mem>>) src(%dma_wait3A_298 : memref<100000x256xf32, #tpu.memory_space<hbm>>) dst(%arg8 : memref<40x256xf32, #tpu.memory_space<vmem>>)
    %mul3A_299 = arith.constant 16 : i32
    %mul3A_300 = arith.muli %add3A, %mul3A_299 : i32
    %add3A_301 = arith.constant 8 : i32
    %add3A_302 = arith.addi %mul3A_300, %add3A_301 : i32
    %mul3A_303 = arith.constant 40 : i32
    %mul3A_304 = arith.muli %add3A_302, %mul3A_303 : i32
    %dma_start3A_305 = arith.constant 0 : i32
    %dma_start3A_306 = tpu.memref_slice %arg4[%mul3A_304, %dma_start3A_305] : memref<20480x256xf32, #tpu.memory_space<hbm>> -> memref<40x256xf32, #tpu.memory_space<hbm>>
    %dma_start3A_307 = arith.constant 0 : i32
    %dma_start3A_308 = tpu.memref_slice %arg4[%mul3A_304, %dma_start3A_307] : memref<20480x256xf32, #tpu.memory_space<hbm>> -> memref<40x256xf32, #tpu.memory_space<hbm>>
    tpu.enqueue_dma source(%arg8 : memref<40x256xf32, #tpu.memory_space<vmem>>) target(%dma_start3A_308 : memref<40x256xf32, #tpu.memory_space<hbm>>) target_semaphore(%arg14 : memref<!tpu.dma_semaphore, #tpu.memory_space<semaphore_mem>>)
    %mul3A_309 = arith.constant 16 : i32
    %mul3A_310 = arith.muli %add3A, %mul3A_309 : i32
    %add3A_311 = arith.constant 8 : i32
    %add3A_312 = arith.addi %mul3A_310, %add3A_311 : i32
    %mul3A_313 = arith.constant 40 : i32
    %mul3A_314 = arith.muli %add3A_312, %mul3A_313 : i32
    %dma_wait3A_315 = arith.constant 0 : i32
    %dma_wait3A_316 = tpu.memref_slice %arg4[%mul3A_314, %dma_wait3A_315] : memref<20480x256xf32, #tpu.memory_space<hbm>> -> memref<40x256xf32, #tpu.memory_space<hbm>>
    %dma_wait3A_317 = arith.constant 0 : i32
    %dma_wait3A_318 = tpu.memref_slice %arg4[%mul3A_314, %dma_wait3A_317] : memref<20480x256xf32, #tpu.memory_space<hbm>> -> memref<40x256xf32, #tpu.memory_space<hbm>>
    tpu.wait_dma2 semaphore(%arg14 : memref<!tpu.dma_semaphore, #tpu.memory_space<semaphore_mem>>) src(%arg8 : memref<40x256xf32, #tpu.memory_space<vmem>>) dst(%dma_wait3A_318 : memref<40x256xf32, #tpu.memory_space<hbm>>)
    %dma_start3A_319 = arith.constant 11 : i32
    %dma_start3A_320 = arith.constant 0 : i32
    %dma_start3A_321 = tpu.memref_slice %arg5[%dma_start3A_319, %dma_start3A_320] : memref<16x40xi32, #tpu.memory_space<vmem>> -> memref<1x40xi32, #tpu.memory_space<vmem>>
    %dma_start3A_322 = tpu.memref_squeeze %dma_start3A_321 : memref<1x40xi32, #tpu.memory_space<vmem>> -> memref<40xi32, #tpu.memory_space<vmem>>
    %dma_start3A_323 = arith.constant 0 : i32
    %dma_start3A_324 = arith.constant 0 : i32
    %dma_start3A_325 = tpu.memref_slice %arg2[%dma_start3A_323, %dma_start3A_324] : memref<100000x256xf32, #tpu.memory_space<hbm>> -> memref<100000x256xf32, #tpu.memory_space<hbm>>
    tpu.enqueue_indirect_dma source(%dma_start3A_325 : memref<100000x256xf32, #tpu.memory_space<hbm>>) target(%arg8 : memref<40x256xf32, #tpu.memory_space<vmem>>) offsets(%dma_start3A_322 : memref<40xi32, #tpu.memory_space<vmem>>) semaphore(%arg11 : memref<!tpu.dma_semaphore, #tpu.memory_space<semaphore_mem>>)
    %dma_wait3A_326 = arith.constant 9 : i32
    %dma_wait3A_327 = arith.constant 0 : i32
    %dma_wait3A_328 = tpu.memref_slice %arg5[%dma_wait3A_326, %dma_wait3A_327] : memref<16x40xi32, #tpu.memory_space<vmem>> -> memref<1x40xi32, #tpu.memory_space<vmem>>
    %dma_wait3A_329 = tpu.memref_squeeze %dma_wait3A_328 : memref<1x40xi32, #tpu.memory_space<vmem>> -> memref<40xi32, #tpu.memory_space<vmem>>
    %dma_wait3A_330 = arith.constant 0 : i32
    %dma_wait3A_331 = arith.constant 0 : i32
    %dma_wait3A_332 = tpu.memref_slice %arg2[%dma_wait3A_330, %dma_wait3A_331] : memref<100000x256xf32, #tpu.memory_space<hbm>> -> memref<100000x256xf32, #tpu.memory_space<hbm>>
    tpu.wait_indirect_dma semaphore(%arg9 : memref<!tpu.dma_semaphore, #tpu.memory_space<semaphore_mem>>) src(%dma_wait3A_332 : memref<100000x256xf32, #tpu.memory_space<hbm>>) dst(%arg6 : memref<40x256xf32, #tpu.memory_space<vmem>>)
    %mul3A_333 = arith.constant 16 : i32
    %mul3A_334 = arith.muli %add3A, %mul3A_333 : i32
    %add3A_335 = arith.constant 9 : i32
    %add3A_336 = arith.addi %mul3A_334, %add3A_335 : i32
    %mul3A_337 = arith.constant 40 : i32
    %mul3A_338 = arith.muli %add3A_336, %mul3A_337 : i32
    %dma_start3A_339 = arith.constant 0 : i32
    %dma_start3A_340 = tpu.memref_slice %arg4[%mul3A_338, %dma_start3A_339] : memref<20480x256xf32, #tpu.memory_space<hbm>> -> memref<40x256xf32, #tpu.memory_space<hbm>>
    %dma_start3A_341 = arith.constant 0 : i32
    %dma_start3A_342 = tpu.memref_slice %arg4[%mul3A_338, %dma_start3A_341] : memref<20480x256xf32, #tpu.memory_space<hbm>> -> memref<40x256xf32, #tpu.memory_space<hbm>>
    tpu.enqueue_dma source(%arg6 : memref<40x256xf32, #tpu.memory_space<vmem>>) target(%dma_start3A_342 : memref<40x256xf32, #tpu.memory_space<hbm>>) target_semaphore(%arg12 : memref<!tpu.dma_semaphore, #tpu.memory_space<semaphore_mem>>)
    %mul3A_343 = arith.constant 16 : i32
    %mul3A_344 = arith.muli %add3A, %mul3A_343 : i32
    %add3A_345 = arith.constant 9 : i32
    %add3A_346 = arith.addi %mul3A_344, %add3A_345 : i32
    %mul3A_347 = arith.constant 40 : i32
    %mul3A_348 = arith.muli %add3A_346, %mul3A_347 : i32
    %dma_wait3A_349 = arith.constant 0 : i32
    %dma_wait3A_350 = tpu.memref_slice %arg4[%mul3A_348, %dma_wait3A_349] : memref<20480x256xf32, #tpu.memory_space<hbm>> -> memref<40x256xf32, #tpu.memory_space<hbm>>
    %dma_wait3A_351 = arith.constant 0 : i32
    %dma_wait3A_352 = tpu.memref_slice %arg4[%mul3A_348, %dma_wait3A_351] : memref<20480x256xf32, #tpu.memory_space<hbm>> -> memref<40x256xf32, #tpu.memory_space<hbm>>
    tpu.wait_dma2 semaphore(%arg12 : memref<!tpu.dma_semaphore, #tpu.memory_space<semaphore_mem>>) src(%arg6 : memref<40x256xf32, #tpu.memory_space<vmem>>) dst(%dma_wait3A_352 : memref<40x256xf32, #tpu.memory_space<hbm>>)
    %dma_start3A_353 = arith.constant 12 : i32
    %dma_start3A_354 = arith.constant 0 : i32
    %dma_start3A_355 = tpu.memref_slice %arg5[%dma_start3A_353, %dma_start3A_354] : memref<16x40xi32, #tpu.memory_space<vmem>> -> memref<1x40xi32, #tpu.memory_space<vmem>>
    %dma_start3A_356 = tpu.memref_squeeze %dma_start3A_355 : memref<1x40xi32, #tpu.memory_space<vmem>> -> memref<40xi32, #tpu.memory_space<vmem>>
    %dma_start3A_357 = arith.constant 0 : i32
    %dma_start3A_358 = arith.constant 0 : i32
    %dma_start3A_359 = tpu.memref_slice %arg2[%dma_start3A_357, %dma_start3A_358] : memref<100000x256xf32, #tpu.memory_space<hbm>> -> memref<100000x256xf32, #tpu.memory_space<hbm>>
    tpu.enqueue_indirect_dma source(%dma_start3A_359 : memref<100000x256xf32, #tpu.memory_space<hbm>>) target(%arg6 : memref<40x256xf32, #tpu.memory_space<vmem>>) offsets(%dma_start3A_356 : memref<40xi32, #tpu.memory_space<vmem>>) semaphore(%arg9 : memref<!tpu.dma_semaphore, #tpu.memory_space<semaphore_mem>>)
    %dma_wait3A_360 = arith.constant 10 : i32
    %dma_wait3A_361 = arith.constant 0 : i32
    %dma_wait3A_362 = tpu.memref_slice %arg5[%dma_wait3A_360, %dma_wait3A_361] : memref<16x40xi32, #tpu.memory_space<vmem>> -> memref<1x40xi32, #tpu.memory_space<vmem>>
    %dma_wait3A_363 = tpu.memref_squeeze %dma_wait3A_362 : memref<1x40xi32, #tpu.memory_space<vmem>> -> memref<40xi32, #tpu.memory_space<vmem>>
    %dma_wait3A_364 = arith.constant 0 : i32
    %dma_wait3A_365 = arith.constant 0 : i32
    %dma_wait3A_366 = tpu.memref_slice %arg2[%dma_wait3A_364, %dma_wait3A_365] : memref<100000x256xf32, #tpu.memory_space<hbm>> -> memref<100000x256xf32, #tpu.memory_space<hbm>>
    tpu.wait_indirect_dma semaphore(%arg10 : memref<!tpu.dma_semaphore, #tpu.memory_space<semaphore_mem>>) src(%dma_wait3A_366 : memref<100000x256xf32, #tpu.memory_space<hbm>>) dst(%arg7 : memref<40x256xf32, #tpu.memory_space<vmem>>)
    %mul3A_367 = arith.constant 16 : i32
    %mul3A_368 = arith.muli %add3A, %mul3A_367 : i32
    %add3A_369 = arith.constant 10 : i32
    %add3A_370 = arith.addi %mul3A_368, %add3A_369 : i32
    %mul3A_371 = arith.constant 40 : i32
    %mul3A_372 = arith.muli %add3A_370, %mul3A_371 : i32
    %dma_start3A_373 = arith.constant 0 : i32
    %dma_start3A_374 = tpu.memref_slice %arg4[%mul3A_372, %dma_start3A_373] : memref<20480x256xf32, #tpu.memory_space<hbm>> -> memref<40x256xf32, #tpu.memory_space<hbm>>
    %dma_start3A_375 = arith.constant 0 : i32
    %dma_start3A_376 = tpu.memref_slice %arg4[%mul3A_372, %dma_start3A_375] : memref<20480x256xf32, #tpu.memory_space<hbm>> -> memref<40x256xf32, #tpu.memory_space<hbm>>
    tpu.enqueue_dma source(%arg7 : memref<40x256xf32, #tpu.memory_space<vmem>>) target(%dma_start3A_376 : memref<40x256xf32, #tpu.memory_space<hbm>>) target_semaphore(%arg13 : memref<!tpu.dma_semaphore, #tpu.memory_space<semaphore_mem>>)
    %mul3A_377 = arith.constant 16 : i32
    %mul3A_378 = arith.muli %add3A, %mul3A_377 : i32
    %add3A_379 = arith.constant 10 : i32
    %add3A_380 = arith.addi %mul3A_378, %add3A_379 : i32
    %mul3A_381 = arith.constant 40 : i32
    %mul3A_382 = arith.muli %add3A_380, %mul3A_381 : i32
    %dma_wait3A_383 = arith.constant 0 : i32
    %dma_wait3A_384 = tpu.memref_slice %arg4[%mul3A_382, %dma_wait3A_383] : memref<20480x256xf32, #tpu.memory_space<hbm>> -> memref<40x256xf32, #tpu.memory_space<hbm>>
    %dma_wait3A_385 = arith.constant 0 : i32
    %dma_wait3A_386 = tpu.memref_slice %arg4[%mul3A_382, %dma_wait3A_385] : memref<20480x256xf32, #tpu.memory_space<hbm>> -> memref<40x256xf32, #tpu.memory_space<hbm>>
    tpu.wait_dma2 semaphore(%arg13 : memref<!tpu.dma_semaphore, #tpu.memory_space<semaphore_mem>>) src(%arg7 : memref<40x256xf32, #tpu.memory_space<vmem>>) dst(%dma_wait3A_386 : memref<40x256xf32, #tpu.memory_space<hbm>>)
    %dma_start3A_387 = arith.constant 13 : i32
    %dma_start3A_388 = arith.constant 0 : i32
    %dma_start3A_389 = tpu.memref_slice %arg5[%dma_start3A_387, %dma_start3A_388] : memref<16x40xi32, #tpu.memory_space<vmem>> -> memref<1x40xi32, #tpu.memory_space<vmem>>
    %dma_start3A_390 = tpu.memref_squeeze %dma_start3A_389 : memref<1x40xi32, #tpu.memory_space<vmem>> -> memref<40xi32, #tpu.memory_space<vmem>>
    %dma_start3A_391 = arith.constant 0 : i32
    %dma_start3A_392 = arith.constant 0 : i32
    %dma_start3A_393 = tpu.memref_slice %arg2[%dma_start3A_391, %dma_start3A_392] : memref<100000x256xf32, #tpu.memory_space<hbm>> -> memref<100000x256xf32, #tpu.memory_space<hbm>>
    tpu.enqueue_indirect_dma source(%dma_start3A_393 : memref<100000x256xf32, #tpu.memory_space<hbm>>) target(%arg7 : memref<40x256xf32, #tpu.memory_space<vmem>>) offsets(%dma_start3A_390 : memref<40xi32, #tpu.memory_space<vmem>>) semaphore(%arg10 : memref<!tpu.dma_semaphore, #tpu.memory_space<semaphore_mem>>)
    %dma_wait3A_394 = arith.constant 11 : i32
    %dma_wait3A_395 = arith.constant 0 : i32
    %dma_wait3A_396 = tpu.memref_slice %arg5[%dma_wait3A_394, %dma_wait3A_395] : memref<16x40xi32, #tpu.memory_space<vmem>> -> memref<1x40xi32, #tpu.memory_space<vmem>>
    %dma_wait3A_397 = tpu.memref_squeeze %dma_wait3A_396 : memref<1x40xi32, #tpu.memory_space<vmem>> -> memref<40xi32, #tpu.memory_space<vmem>>
    %dma_wait3A_398 = arith.constant 0 : i32
    %dma_wait3A_399 = arith.constant 0 : i32
    %dma_wait3A_400 = tpu.memref_slice %arg2[%dma_wait3A_398, %dma_wait3A_399] : memref<100000x256xf32, #tpu.memory_space<hbm>> -> memref<100000x256xf32, #tpu.memory_space<hbm>>
    tpu.wait_indirect_dma semaphore(%arg11 : memref<!tpu.dma_semaphore, #tpu.memory_space<semaphore_mem>>) src(%dma_wait3A_400 : memref<100000x256xf32, #tpu.memory_space<hbm>>) dst(%arg8 : memref<40x256xf32, #tpu.memory_space<vmem>>)
    %mul3A_401 = arith.constant 16 : i32
    %mul3A_402 = arith.muli %add3A, %mul3A_401 : i32
    %add3A_403 = arith.constant 11 : i32
    %add3A_404 = arith.addi %mul3A_402, %add3A_403 : i32
    %mul3A_405 = arith.constant 40 : i32
    %mul3A_406 = arith.muli %add3A_404, %mul3A_405 : i32
    %dma_start3A_407 = arith.constant 0 : i32
    %dma_start3A_408 = tpu.memref_slice %arg4[%mul3A_406, %dma_start3A_407] : memref<20480x256xf32, #tpu.memory_space<hbm>> -> memref<40x256xf32, #tpu.memory_space<hbm>>
    %dma_start3A_409 = arith.constant 0 : i32
    %dma_start3A_410 = tpu.memref_slice %arg4[%mul3A_406, %dma_start3A_409] : memref<20480x256xf32, #tpu.memory_space<hbm>> -> memref<40x256xf32, #tpu.memory_space<hbm>>
    tpu.enqueue_dma source(%arg8 : memref<40x256xf32, #tpu.memory_space<vmem>>) target(%dma_start3A_410 : memref<40x256xf32, #tpu.memory_space<hbm>>) target_semaphore(%arg14 : memref<!tpu.dma_semaphore, #tpu.memory_space<semaphore_mem>>)
    %mul3A_411 = arith.constant 16 : i32
    %mul3A_412 = arith.muli %add3A, %mul3A_411 : i32
    %add3A_413 = arith.constant 11 : i32
    %add3A_414 = arith.addi %mul3A_412, %add3A_413 : i32
    %mul3A_415 = arith.constant 40 : i32
    %mul3A_416 = arith.muli %add3A_414, %mul3A_415 : i32
    %dma_wait3A_417 = arith.constant 0 : i32
    %dma_wait3A_418 = tpu.memref_slice %arg4[%mul3A_416, %dma_wait3A_417] : memref<20480x256xf32, #tpu.memory_space<hbm>> -> memref<40x256xf32, #tpu.memory_space<hbm>>
    %dma_wait3A_419 = arith.constant 0 : i32
    %dma_wait3A_420 = tpu.memref_slice %arg4[%mul3A_416, %dma_wait3A_419] : memref<20480x256xf32, #tpu.memory_space<hbm>> -> memref<40x256xf32, #tpu.memory_space<hbm>>
    tpu.wait_dma2 semaphore(%arg14 : memref<!tpu.dma_semaphore, #tpu.memory_space<semaphore_mem>>) src(%arg8 : memref<40x256xf32, #tpu.memory_space<vmem>>) dst(%dma_wait3A_420 : memref<40x256xf32, #tpu.memory_space<hbm>>)
    %dma_start3A_421 = arith.constant 14 : i32
    %dma_start3A_422 = arith.constant 0 : i32
    %dma_start3A_423 = tpu.memref_slice %arg5[%dma_start3A_421, %dma_start3A_422] : memref<16x40xi32, #tpu.memory_space<vmem>> -> memref<1x40xi32, #tpu.memory_space<vmem>>
    %dma_start3A_424 = tpu.memref_squeeze %dma_start3A_423 : memref<1x40xi32, #tpu.memory_space<vmem>> -> memref<40xi32, #tpu.memory_space<vmem>>
    %dma_start3A_425 = arith.constant 0 : i32
    %dma_start3A_426 = arith.constant 0 : i32
    %dma_start3A_427 = tpu.memref_slice %arg2[%dma_start3A_425, %dma_start3A_426] : memref<100000x256xf32, #tpu.memory_space<hbm>> -> memref<100000x256xf32, #tpu.memory_space<hbm>>
    tpu.enqueue_indirect_dma source(%dma_start3A_427 : memref<100000x256xf32, #tpu.memory_space<hbm>>) target(%arg8 : memref<40x256xf32, #tpu.memory_space<vmem>>) offsets(%dma_start3A_424 : memref<40xi32, #tpu.memory_space<vmem>>) semaphore(%arg11 : memref<!tpu.dma_semaphore, #tpu.memory_space<semaphore_mem>>)
    %dma_wait3A_428 = arith.constant 12 : i32
    %dma_wait3A_429 = arith.constant 0 : i32
    %dma_wait3A_430 = tpu.memref_slice %arg5[%dma_wait3A_428, %dma_wait3A_429] : memref<16x40xi32, #tpu.memory_space<vmem>> -> memref<1x40xi32, #tpu.memory_space<vmem>>
    %dma_wait3A_431 = tpu.memref_squeeze %dma_wait3A_430 : memref<1x40xi32, #tpu.memory_space<vmem>> -> memref<40xi32, #tpu.memory_space<vmem>>
    %dma_wait3A_432 = arith.constant 0 : i32
    %dma_wait3A_433 = arith.constant 0 : i32
    %dma_wait3A_434 = tpu.memref_slice %arg2[%dma_wait3A_432, %dma_wait3A_433] : memref<100000x256xf32, #tpu.memory_space<hbm>> -> memref<100000x256xf32, #tpu.memory_space<hbm>>
    tpu.wait_indirect_dma semaphore(%arg9 : memref<!tpu.dma_semaphore, #tpu.memory_space<semaphore_mem>>) src(%dma_wait3A_434 : memref<100000x256xf32, #tpu.memory_space<hbm>>) dst(%arg6 : memref<40x256xf32, #tpu.memory_space<vmem>>)
    %mul3A_435 = arith.constant 16 : i32
    %mul3A_436 = arith.muli %add3A, %mul3A_435 : i32
    %add3A_437 = arith.constant 12 : i32
    %add3A_438 = arith.addi %mul3A_436, %add3A_437 : i32
    %mul3A_439 = arith.constant 40 : i32
    %mul3A_440 = arith.muli %add3A_438, %mul3A_439 : i32
    %dma_start3A_441 = arith.constant 0 : i32
    %dma_start3A_442 = tpu.memref_slice %arg4[%mul3A_440, %dma_start3A_441] : memref<20480x256xf32, #tpu.memory_space<hbm>> -> memref<40x256xf32, #tpu.memory_space<hbm>>
    %dma_start3A_443 = arith.constant 0 : i32
    %dma_start3A_444 = tpu.memref_slice %arg4[%mul3A_440, %dma_start3A_443] : memref<20480x256xf32, #tpu.memory_space<hbm>> -> memref<40x256xf32, #tpu.memory_space<hbm>>
    tpu.enqueue_dma source(%arg6 : memref<40x256xf32, #tpu.memory_space<vmem>>) target(%dma_start3A_444 : memref<40x256xf32, #tpu.memory_space<hbm>>) target_semaphore(%arg12 : memref<!tpu.dma_semaphore, #tpu.memory_space<semaphore_mem>>)
    %mul3A_445 = arith.constant 16 : i32
    %mul3A_446 = arith.muli %add3A, %mul3A_445 : i32
    %add3A_447 = arith.constant 12 : i32
    %add3A_448 = arith.addi %mul3A_446, %add3A_447 : i32
    %mul3A_449 = arith.constant 40 : i32
    %mul3A_450 = arith.muli %add3A_448, %mul3A_449 : i32
    %dma_wait3A_451 = arith.constant 0 : i32
    %dma_wait3A_452 = tpu.memref_slice %arg4[%mul3A_450, %dma_wait3A_451] : memref<20480x256xf32, #tpu.memory_space<hbm>> -> memref<40x256xf32, #tpu.memory_space<hbm>>
    %dma_wait3A_453 = arith.constant 0 : i32
    %dma_wait3A_454 = tpu.memref_slice %arg4[%mul3A_450, %dma_wait3A_453] : memref<20480x256xf32, #tpu.memory_space<hbm>> -> memref<40x256xf32, #tpu.memory_space<hbm>>
    tpu.wait_dma2 semaphore(%arg12 : memref<!tpu.dma_semaphore, #tpu.memory_space<semaphore_mem>>) src(%arg6 : memref<40x256xf32, #tpu.memory_space<vmem>>) dst(%dma_wait3A_454 : memref<40x256xf32, #tpu.memory_space<hbm>>)
    %dma_start3A_455 = arith.constant 15 : i32
    %dma_start3A_456 = arith.constant 0 : i32
    %dma_start3A_457 = tpu.memref_slice %arg5[%dma_start3A_455, %dma_start3A_456] : memref<16x40xi32, #tpu.memory_space<vmem>> -> memref<1x40xi32, #tpu.memory_space<vmem>>
    %dma_start3A_458 = tpu.memref_squeeze %dma_start3A_457 : memref<1x40xi32, #tpu.memory_space<vmem>> -> memref<40xi32, #tpu.memory_space<vmem>>
    %dma_start3A_459 = arith.constant 0 : i32
    %dma_start3A_460 = arith.constant 0 : i32
    %dma_start3A_461 = tpu.memref_slice %arg2[%dma_start3A_459, %dma_start3A_460] : memref<100000x256xf32, #tpu.memory_space<hbm>> -> memref<100000x256xf32, #tpu.memory_space<hbm>>
    tpu.enqueue_indirect_dma source(%dma_start3A_461 : memref<100000x256xf32, #tpu.memory_space<hbm>>) target(%arg6 : memref<40x256xf32, #tpu.memory_space<vmem>>) offsets(%dma_start3A_458 : memref<40xi32, #tpu.memory_space<vmem>>) semaphore(%arg9 : memref<!tpu.dma_semaphore, #tpu.memory_space<semaphore_mem>>)
    %dma_wait3A_462 = arith.constant 13 : i32
    %dma_wait3A_463 = arith.constant 0 : i32
    %dma_wait3A_464 = tpu.memref_slice %arg5[%dma_wait3A_462, %dma_wait3A_463] : memref<16x40xi32, #tpu.memory_space<vmem>> -> memref<1x40xi32, #tpu.memory_space<vmem>>
    %dma_wait3A_465 = tpu.memref_squeeze %dma_wait3A_464 : memref<1x40xi32, #tpu.memory_space<vmem>> -> memref<40xi32, #tpu.memory_space<vmem>>
    %dma_wait3A_466 = arith.constant 0 : i32
    %dma_wait3A_467 = arith.constant 0 : i32
    %dma_wait3A_468 = tpu.memref_slice %arg2[%dma_wait3A_466, %dma_wait3A_467] : memref<100000x256xf32, #tpu.memory_space<hbm>> -> memref<100000x256xf32, #tpu.memory_space<hbm>>
    tpu.wait_indirect_dma semaphore(%arg10 : memref<!tpu.dma_semaphore, #tpu.memory_space<semaphore_mem>>) src(%dma_wait3A_468 : memref<100000x256xf32, #tpu.memory_space<hbm>>) dst(%arg7 : memref<40x256xf32, #tpu.memory_space<vmem>>)
    %mul3A_469 = arith.constant 16 : i32
    %mul3A_470 = arith.muli %add3A, %mul3A_469 : i32
    %add3A_471 = arith.constant 13 : i32
    %add3A_472 = arith.addi %mul3A_470, %add3A_471 : i32
    %mul3A_473 = arith.constant 40 : i32
    %mul3A_474 = arith.muli %add3A_472, %mul3A_473 : i32
    %dma_start3A_475 = arith.constant 0 : i32
    %dma_start3A_476 = tpu.memref_slice %arg4[%mul3A_474, %dma_start3A_475] : memref<20480x256xf32, #tpu.memory_space<hbm>> -> memref<40x256xf32, #tpu.memory_space<hbm>>
    %dma_start3A_477 = arith.constant 0 : i32
    %dma_start3A_478 = tpu.memref_slice %arg4[%mul3A_474, %dma_start3A_477] : memref<20480x256xf32, #tpu.memory_space<hbm>> -> memref<40x256xf32, #tpu.memory_space<hbm>>
    tpu.enqueue_dma source(%arg7 : memref<40x256xf32, #tpu.memory_space<vmem>>) target(%dma_start3A_478 : memref<40x256xf32, #tpu.memory_space<hbm>>) target_semaphore(%arg13 : memref<!tpu.dma_semaphore, #tpu.memory_space<semaphore_mem>>)
    %dma_wait3A_479 = arith.constant 14 : i32
    %dma_wait3A_480 = arith.constant 0 : i32
    %dma_wait3A_481 = tpu.memref_slice %arg5[%dma_wait3A_479, %dma_wait3A_480] : memref<16x40xi32, #tpu.memory_space<vmem>> -> memref<1x40xi32, #tpu.memory_space<vmem>>
    %dma_wait3A_482 = tpu.memref_squeeze %dma_wait3A_481 : memref<1x40xi32, #tpu.memory_space<vmem>> -> memref<40xi32, #tpu.memory_space<vmem>>
    %dma_wait3A_483 = arith.constant 0 : i32
    %dma_wait3A_484 = arith.constant 0 : i32
    %dma_wait3A_485 = tpu.memref_slice %arg2[%dma_wait3A_483, %dma_wait3A_484] : memref<100000x256xf32, #tpu.memory_space<hbm>> -> memref<100000x256xf32, #tpu.memory_space<hbm>>
    tpu.wait_indirect_dma semaphore(%arg11 : memref<!tpu.dma_semaphore, #tpu.memory_space<semaphore_mem>>) src(%dma_wait3A_485 : memref<100000x256xf32, #tpu.memory_space<hbm>>) dst(%arg8 : memref<40x256xf32, #tpu.memory_space<vmem>>)
    %mul3A_486 = arith.constant 16 : i32
    %mul3A_487 = arith.muli %add3A, %mul3A_486 : i32
    %add3A_488 = arith.constant 14 : i32
    %add3A_489 = arith.addi %mul3A_487, %add3A_488 : i32
    %mul3A_490 = arith.constant 40 : i32
    %mul3A_491 = arith.muli %add3A_489, %mul3A_490 : i32
    %dma_start3A_492 = arith.constant 0 : i32
    %dma_start3A_493 = tpu.memref_slice %arg4[%mul3A_491, %dma_start3A_492] : memref<20480x256xf32, #tpu.memory_space<hbm>> -> memref<40x256xf32, #tpu.memory_space<hbm>>
    %dma_start3A_494 = arith.constant 0 : i32
    %dma_start3A_495 = tpu.memref_slice %arg4[%mul3A_491, %dma_start3A_494] : memref<20480x256xf32, #tpu.memory_space<hbm>> -> memref<40x256xf32, #tpu.memory_space<hbm>>
    tpu.enqueue_dma source(%arg8 : memref<40x256xf32, #tpu.memory_space<vmem>>) target(%dma_start3A_495 : memref<40x256xf32, #tpu.memory_space<hbm>>) target_semaphore(%arg14 : memref<!tpu.dma_semaphore, #tpu.memory_space<semaphore_mem>>)
    %dma_wait3A_496 = arith.constant 15 : i32
    %dma_wait3A_497 = arith.constant 0 : i32
    %dma_wait3A_498 = tpu.memref_slice %arg5[%dma_wait3A_496, %dma_wait3A_497] : memref<16x40xi32, #tpu.memory_space<vmem>> -> memref<1x40xi32, #tpu.memory_space<vmem>>
    %dma_wait3A_499 = tpu.memref_squeeze %dma_wait3A_498 : memref<1x40xi32, #tpu.memory_space<vmem>> -> memref<40xi32, #tpu.memory_space<vmem>>
    %dma_wait3A_500 = arith.constant 0 : i32
    %dma_wait3A_501 = arith.constant 0 : i32
    %dma_wait3A_502 = tpu.memref_slice %arg2[%dma_wait3A_500, %dma_wait3A_501] : memref<100000x256xf32, #tpu.memory_space<hbm>> -> memref<100000x256xf32, #tpu.memory_space<hbm>>
    tpu.wait_indirect_dma semaphore(%arg9 : memref<!tpu.dma_semaphore, #tpu.memory_space<semaphore_mem>>) src(%dma_wait3A_502 : memref<100000x256xf32, #tpu.memory_space<hbm>>) dst(%arg6 : memref<40x256xf32, #tpu.memory_space<vmem>>)
    %mul3A_503 = arith.constant 16 : i32
    %mul3A_504 = arith.muli %add3A, %mul3A_503 : i32
    %add3A_505 = arith.constant 15 : i32
    %add3A_506 = arith.addi %mul3A_504, %add3A_505 : i32
    %mul3A_507 = arith.constant 40 : i32
    %mul3A_508 = arith.muli %add3A_506, %mul3A_507 : i32
    %dma_start3A_509 = arith.constant 0 : i32
    %dma_start3A_510 = tpu.memref_slice %arg4[%mul3A_508, %dma_start3A_509] : memref<20480x256xf32, #tpu.memory_space<hbm>> -> memref<40x256xf32, #tpu.memory_space<hbm>>
    %dma_start3A_511 = arith.constant 0 : i32
    %dma_start3A_512 = tpu.memref_slice %arg4[%mul3A_508, %dma_start3A_511] : memref<20480x256xf32, #tpu.memory_space<hbm>> -> memref<40x256xf32, #tpu.memory_space<hbm>>
    tpu.enqueue_dma source(%arg6 : memref<40x256xf32, #tpu.memory_space<vmem>>) target(%dma_start3A_512 : memref<40x256xf32, #tpu.memory_space<hbm>>) target_semaphore(%arg12 : memref<!tpu.dma_semaphore, #tpu.memory_space<semaphore_mem>>)
    %mul3A_513 = arith.constant 16 : i32
    %mul3A_514 = arith.muli %add3A, %mul3A_513 : i32
    %add3A_515 = arith.constant 13 : i32
    %add3A_516 = arith.addi %mul3A_514, %add3A_515 : i32
    %mul3A_517 = arith.constant 40 : i32
    %mul3A_518 = arith.muli %add3A_516, %mul3A_517 : i32
    %dma_wait3A_519 = arith.constant 0 : i32
    %dma_wait3A_520 = tpu.memref_slice %arg4[%mul3A_518, %dma_wait3A_519] : memref<20480x256xf32, #tpu.memory_space<hbm>> -> memref<40x256xf32, #tpu.memory_space<hbm>>
    %dma_wait3A_521 = arith.constant 0 : i32
    %dma_wait3A_522 = tpu.memref_slice %arg4[%mul3A_518, %dma_wait3A_521] : memref<20480x256xf32, #tpu.memory_space<hbm>> -> memref<40x256xf32, #tpu.memory_space<hbm>>
    tpu.wait_dma2 semaphore(%arg13 : memref<!tpu.dma_semaphore, #tpu.memory_space<semaphore_mem>>) src(%arg7 : memref<40x256xf32, #tpu.memory_space<vmem>>) dst(%dma_wait3A_522 : memref<40x256xf32, #tpu.memory_space<hbm>>)
    %mul3A_523 = arith.constant 16 : i32
    %mul3A_524 = arith.muli %add3A, %mul3A_523 : i32
    %add3A_525 = arith.constant 14 : i32
    %add3A_526 = arith.addi %mul3A_524, %add3A_525 : i32
    %mul3A_527 = arith.constant 40 : i32
    %mul3A_528 = arith.muli %add3A_526, %mul3A_527 : i32
    %dma_wait3A_529 = arith.constant 0 : i32
    %dma_wait3A_530 = tpu.memref_slice %arg4[%mul3A_528, %dma_wait3A_529] : memref<20480x256xf32, #tpu.memory_space<hbm>> -> memref<40x256xf32, #tpu.memory_space<hbm>>
    %dma_wait3A_531 = arith.constant 0 : i32
    %dma_wait3A_532 = tpu.memref_slice %arg4[%mul3A_528, %dma_wait3A_531] : memref<20480x256xf32, #tpu.memory_space<hbm>> -> memref<40x256xf32, #tpu.memory_space<hbm>>
    tpu.wait_dma2 semaphore(%arg14 : memref<!tpu.dma_semaphore, #tpu.memory_space<semaphore_mem>>) src(%arg8 : memref<40x256xf32, #tpu.memory_space<vmem>>) dst(%dma_wait3A_532 : memref<40x256xf32, #tpu.memory_space<hbm>>)
    %mul3A_533 = arith.constant 16 : i32
    %mul3A_534 = arith.muli %add3A, %mul3A_533 : i32
    %add3A_535 = arith.constant 15 : i32
    %add3A_536 = arith.addi %mul3A_534, %add3A_535 : i32
    %mul3A_537 = arith.constant 40 : i32
    %mul3A_538 = arith.muli %add3A_536, %mul3A_537 : i32
    %dma_wait3A_539 = arith.constant 0 : i32
    %dma_wait3A_540 = tpu.memref_slice %arg4[%mul3A_538, %dma_wait3A_539] : memref<20480x256xf32, #tpu.memory_space<hbm>> -> memref<40x256xf32, #tpu.memory_space<hbm>>
    %dma_wait3A_541 = arith.constant 0 : i32
    %dma_wait3A_542 = tpu.memref_slice %arg4[%mul3A_538, %dma_wait3A_541] : memref<20480x256xf32, #tpu.memory_space<hbm>> -> memref<40x256xf32, #tpu.memory_space<hbm>>
    tpu.wait_dma2 semaphore(%arg12 : memref<!tpu.dma_semaphore, #tpu.memory_space<semaphore_mem>>) src(%arg6 : memref<40x256xf32, #tpu.memory_space<vmem>>) dst(%dma_wait3A_542 : memref<40x256xf32, #tpu.memory_space<hbm>>)
    return
  }
}

module attributes {stable_mosaic.version = 14 : i64} {
  func.func @body(%arg0: i32, %arg1: memref<2000x256xf32, #tpu.memory_space<vmem>>, %arg2: memref<256x768xbf16, #tpu.memory_space<vmem>>, %arg3: memref<1x768xf32, #tpu.memory_space<vmem>>, %arg4: memref<1x256xf32, #tpu.memory_space<vmem>>, %arg5: memref<1x256xf32, #tpu.memory_space<vmem>>, %arg6: memref<1x256xf32, #tpu.memory_space<vmem>>, %arg7: memref<2000x256xf32, #tpu.memory_space<vmem>>) attributes {dimension_semantics = [#tpu.dimension_semantics<parallel>], iteration_bounds = array<i64: 10>, scalar_prefetch = 0 : i64, scratch_operands = 0 : i64, tpu.core_type = #tpu.core_type<tc>, window_params = [{transform_indices = @transform_0, window_bounds = array<i64: 2000, 256>}, {pipeline_mode = #tpu.pipeline_mode<synchronous>, transform_indices = @transform_1, window_bounds = array<i64: 256, 768>}, {pipeline_mode = #tpu.pipeline_mode<synchronous>, transform_indices = @transform_2, window_bounds = array<i64: 1, 768>}, {pipeline_mode = #tpu.pipeline_mode<synchronous>, transform_indices = @transform_3, window_bounds = array<i64: 1, 256>}, {pipeline_mode = #tpu.pipeline_mode<synchronous>, transform_indices = @transform_4, window_bounds = array<i64: 1, 256>}, {pipeline_mode = #tpu.pipeline_mode<synchronous>, transform_indices = @transform_5, window_bounds = array<i64: 1, 256>}, {transform_indices = @transform_6, window_bounds = array<i64: 2000, 256>}]} {
    %get3A = arith.constant 0 : index
    %get3A_0 = arith.constant 0 : index
    %get3A_1 = vector.load %arg1[%get3A, %get3A_0] : memref<2000x256xf32, #tpu.memory_space<vmem>>, vector<2000x256xf32>
    %convert_element_type3A = arith.truncf %get3A_1 : vector<2000x256xf32> to vector<2000x256xbf16>
    %get3A_2 = arith.constant 0 : index
    %get3A_3 = arith.constant 0 : index
    %get3A_4 = vector.load %arg2[%get3A_2, %get3A_3] : memref<256x768xbf16, #tpu.memory_space<vmem>>, vector<256x768xbf16>
    %dot_general3A = arith.constant dense<0.000000e+00> : vector<2000x768xf32>
    %dot_general3A_5 = tpu.matmul %convert_element_type3A, %get3A_4, %dot_general3A {dimension_numbers = #tpu.dot_dimension_numbers<[1], [0], [0], [1], [0, 0, 1, 1], [], []>, transpose_lhs_hint = false} : vector<2000x256xbf16>, vector<256x768xbf16>, vector<2000x768xf32> -> vector<2000x768xf32>
    %get3A_6 = arith.constant 0 : index
    %get3A_7 = arith.constant 0 : index
    %get3A_8 = vector.load %arg3[%get3A_6, %get3A_7] : memref<1x768xf32, #tpu.memory_space<vmem>>, vector<1x768xf32>
    %add3A = vector.broadcast %get3A_8 : vector<1x768xf32> to vector<2000x768xf32>
    %add3A_9 = arith.addf %dot_general3A_5, %add3A : vector<2000x768xf32>
    %slice3A = vector.extract_strided_slice %add3A_9 {offsets = [0, 0], sizes = [2000, 256], strides = [1, 1]} : vector<2000x768xf32> to vector<2000x256xf32>
    %slice3A_10 = vector.extract_strided_slice %add3A_9 {offsets = [0, 256], sizes = [2000, 256], strides = [1, 1]} : vector<2000x768xf32> to vector<2000x256xf32>
    %slice3A_11 = vector.extract_strided_slice %add3A_9 {offsets = [0, 512], sizes = [2000, 256], strides = [1, 1]} : vector<2000x768xf32> to vector<2000x256xf32>
    %get3A_12 = arith.constant 0 : index
    %get3A_13 = arith.constant 0 : index
    %get3A_14 = vector.load %arg4[%get3A_12, %get3A_13] : memref<1x256xf32, #tpu.memory_space<vmem>>, vector<1x256xf32>
    %add3A_15 = vector.broadcast %get3A_14 : vector<1x256xf32> to vector<2000x256xf32>
    %add3A_16 = arith.addf %add3A_15, %slice3A : vector<2000x256xf32>
    %logistic3A = arith.negf %add3A_16 : vector<2000x256xf32>
    %logistic3A_17 = math.exp %logistic3A : vector<2000x256xf32>
    %logistic3A_18 = arith.constant 1.000000e+00 : f32
    %logistic3A_19 = vector.broadcast %logistic3A_18 : f32 to vector<2000x256xf32>
    %logistic3A_20 = arith.addf %logistic3A_19, %logistic3A_17 : vector<2000x256xf32>
    %logistic3A_21 = arith.divf %logistic3A_19, %logistic3A_20 : vector<2000x256xf32>
    %get3A_22 = arith.constant 0 : index
    %get3A_23 = arith.constant 0 : index
    %get3A_24 = vector.load %arg5[%get3A_22, %get3A_23] : memref<1x256xf32, #tpu.memory_space<vmem>>, vector<1x256xf32>
    %add3A_25 = vector.broadcast %get3A_24 : vector<1x256xf32> to vector<2000x256xf32>
    %add3A_26 = arith.addf %add3A_25, %slice3A_10 : vector<2000x256xf32>
    %logistic3A_27 = arith.negf %add3A_26 : vector<2000x256xf32>
    %logistic3A_28 = math.exp %logistic3A_27 : vector<2000x256xf32>
    %logistic3A_29 = arith.constant 1.000000e+00 : f32
    %logistic3A_30 = vector.broadcast %logistic3A_29 : f32 to vector<2000x256xf32>
    %logistic3A_31 = arith.addf %logistic3A_30, %logistic3A_28 : vector<2000x256xf32>
    %logistic3A_32 = arith.divf %logistic3A_30, %logistic3A_31 : vector<2000x256xf32>
    %get3A_33 = arith.constant 0 : index
    %get3A_34 = arith.constant 0 : index
    %get3A_35 = vector.load %arg6[%get3A_33, %get3A_34] : memref<1x256xf32, #tpu.memory_space<vmem>>, vector<1x256xf32>
    %mul3A = arith.mulf %logistic3A_21, %slice3A_11 : vector<2000x256xf32>
    %add3A_36 = vector.broadcast %get3A_35 : vector<1x256xf32> to vector<2000x256xf32>
    %add3A_37 = arith.addf %add3A_36, %mul3A : vector<2000x256xf32>
    %tanh3A = math.tanh %add3A_37 : vector<2000x256xf32>
    %sub3A = arith.constant 1.000000e+00 : f32
    %sub3A_38 = vector.broadcast %sub3A : f32 to vector<2000x256xf32>
    %sub3A_39 = arith.subf %sub3A_38, %logistic3A_32 : vector<2000x256xf32>
    %mul3A_40 = arith.mulf %sub3A_39, %tanh3A : vector<2000x256xf32>
    %mul3A_41 = arith.mulf %logistic3A_32, %get3A_1 : vector<2000x256xf32>
    %add3A_42 = arith.addf %mul3A_40, %mul3A_41 : vector<2000x256xf32>
    %swap3A = arith.constant 0 : index
    %swap3A_43 = arith.constant 0 : index
    %swap3A_44 = vector.load %arg7[%swap3A, %swap3A_43] : memref<2000x256xf32, #tpu.memory_space<vmem>>, vector<2000x256xf32>
    tpu.vector_store %arg7[%swap3A, %swap3A_43], %add3A_42 {strides = array<i32>} : memref<2000x256xf32, #tpu.memory_space<vmem>>, vector<2000x256xf32>,
    return
  }
  func.func @transform_0(%arg0: i32) -> (i32, i32) {
    %c0_i32 = arith.constant 0 : i32
    %c0_i32_0 = arith.constant 0 : i32
    return %arg0, %c0_i32 : i32, i32
  }
  func.func @transform_1(%arg0: i32) -> (i32, i32) {
    %c0_i32 = arith.constant 0 : i32
    %c0_i32_0 = arith.constant 0 : i32
    %c0_i32_1 = arith.constant 0 : i32
    return %c0_i32, %c0_i32_0 : i32, i32
  }
  func.func @transform_2(%arg0: i32) -> (i32, i32) {
    %c0_i32 = arith.constant 0 : i32
    %c0_i32_0 = arith.constant 0 : i32
    %c0_i32_1 = arith.constant 0 : i32
    return %c0_i32, %c0_i32_0 : i32, i32
  }
  func.func @transform_3(%arg0: i32) -> (i32, i32) {
    %c0_i32 = arith.constant 0 : i32
    %c0_i32_0 = arith.constant 0 : i32
    %c0_i32_1 = arith.constant 0 : i32
    return %c0_i32, %c0_i32_0 : i32, i32
  }
  func.func @transform_4(%arg0: i32) -> (i32, i32) {
    %c0_i32 = arith.constant 0 : i32
    %c0_i32_0 = arith.constant 0 : i32
    %c0_i32_1 = arith.constant 0 : i32
    return %c0_i32, %c0_i32_0 : i32, i32
  }
  func.func @transform_5(%arg0: i32) -> (i32, i32) {
    %c0_i32 = arith.constant 0 : i32
    %c0_i32_0 = arith.constant 0 : i32
    %c0_i32_1 = arith.constant 0 : i32
    return %c0_i32, %c0_i32_0 : i32, i32
  }
  func.func @transform_6(%arg0: i32) -> (i32, i32) {
    %c0_i32 = arith.constant 0 : i32
    %c0_i32_0 = arith.constant 0 : i32
    return %arg0, %c0_i32 : i32, i32
  }
}

</mosaic_0001>

<sc_bundles>
// kernel: kernel.4.cloned.1.call-start
scs
__scs_entry_jumppad:
0x0: {  	(pc) =	sbr.rel $0x88, $3  }
0x1: {  	(tag) =	ssettag $0x0;
	lr =	simm.s32 $0x1  }
0x2: {  	[smem:$0x3F9C] =	sst lr;
	_ =	strace $0xD0000000  }
0x3: {  	_ = 	snop  }
0x4: {  	_ = 	snop  }
0x5: {  	_ = 	snop  }
0x6: {  	_ = 	snop  }
0x7: {  	_ = 	snop  }
__scs_overlays_trampoline_lowered:
0x8: {  	[smem:$0x3FAB] =	sst s0  }
0x9: {  	[smem:$0x3FAC] =	sst s1  }
0xa: {  	[smem:$0x3FAD] =	sst s2  }
0xb: {  	[smem:$0x3FAE] =	sst s3  }
0xc: {  	[smem:$0x3FAF] =	sst s4  }
0xd: {  	[smem:$0x3FB0] =	sst s5  }
0xe: {  	[smem:$0x3FB1] =	sst s6  }
0xf: {  	[smem:$0x3FB2] =	sst s7  }
0x10: {  	[smem:$0x3FB3] =	sst s8  }
0x11: {  	[smem:$0x3FB4] =	sst s9;
	s0 =	simm.s32 @!p0 $0x0  }
0x12: {  	s1 =	sld [smem:$0x3F9A];
	s0 =	simm.s32 @p0 $0x1  }
0x13: {  	[smem:$0x3FB5] =	sst s0;
	s0 =	simm.s32 @!p1 $0x0  }
0x14: {  	s2 =	sld [smem:$0x3F99];
	s0 =	simm.s32 @p1 $0x1  }
0x15: {  	[smem:$0x3FB6] =	sst s0;
	s0 =	simm.s32 @!p2 $0x0  }
0x16: {  	s3 =	sld [smem:$0x3FDB];
	s0 =	simm.s32 @p2 $0x1  }
0x17: {  	s4 =	simm.s32 $0x1BF5;
	[smem:$0x3FB8] =	sst s0  }
0x18: {  	s0 =	sld [smem:$0x3F9B];
	_ =	swait.ge [sflag:s4], $0x0  }
0x19: {  	s7 =	sld [smem:$0x3F9C]  }
0x1a: {  	s8 =	sadd.s32 $0xFFFFE003, lr  }
0x1b: {  	s9 =	sadd.s32 $0xFFFFFEF7, lr;
	s5 =	simm.s32 $0xFFFFFFFF;
	p2 =	slt.u32 s8, $0xFFFFF086  }
0x1c: {  	p1 =	slt.u32 s9, $0xF7A;
	s5 =	simm.s32 @!p2 $0x0  }
0x1d: {  	s5 =	simm.s32 @p1 $0x1;
	p0 =	seq.s32 s7, s2  }
0x1e: {  	s7 =	smul.u32 @!p0 $0xF7A, s2;
	p2 =	seq.s32 @!p0 s5, $0x0  }
0x1f: {  	s9 =	smul.u32 $0xF7A, s1;
	s8 =	simm.s32 @!p0 $0x1BF5;
	p2 =	por !p2, p0  }
0x20: {  	[sflag:s8] =	ssyncset.s32 @!p0 $0xFFFFF086;
	s6 =	sadd.s32 @!p0 s3, s7;
	s7 =	simm.s32 @!p0 $0x108  }
0x21: {  	s3 =	sadd.s32 s3, s9;
	s6 =	sadd.s32 @!p0 $0x88, s6;
	s7 =	simm.s32 @p2 $0x1082  }
0x22: {  	[simem:s7], [sflag:s8] =	dma.local @!p0 [hbm:s6], $0xF7A  }
0x23: {  	s9 =	sor.u32 $0xD0000000, s2;
	s6 =	simm.s32 $0x108;
	_ =	swait.ge @!p0 [sflag:s8], $0x0  }
0x24: {  	s3 =	sadd.s32 $0x88, s3;
	s6 =	simm.s32 @!p1 $0x1082;
	[sflag:s4] =	ssyncset.s32 $0xFFFFF086  }
0x25: {  	[simem:s6], [sflag:s4] =	dma.local [hbm:s3], $0xF7A  }
0x26: {  	[smem:$0x3F9C] =	sst s1;
	(tag) =	ssettag s2;
	_ =	strace s9  }
0x27: {  	s1 =	sld [smem:$0x3FAC]  }
0x28: {  	s2 =	sld [smem:$0x3FAD]  }
0x29: {  	s4 =	sld [smem:$0x3FAF]  }
0x2a: {  	p0 =	seq.s32 s5, $0x0;
	s5 =	sld [smem:$0x3FB0]  }
0x2b: {  	s6 =	sld [smem:$0x3FB1]  }
0x2c: {  	s7 =	sld [smem:$0x3FB2]  }
0x2d: {  	s3 =	simm.s32 $0x108;
	s8 =	sld [smem:$0x3FB3]  }
0x2e: {  	s3 =	simm.s32 @!p0 $0x1082;
	s9 =	sld [smem:$0x3FB4]  }
0x2f: {  	lr =	sadd.s32 s0, s3;
	s0 =	sld [smem:$0x3FAB]  }
0x30: {  	s3 =	sld [smem:$0x3FAE]  }
0x31: {  	[smem:$0x3FB7] =	sst s10  }
0x32: {  	s10 =	sld [smem:$0x3FB5];
	_ =	sdelay $0x3  }
0x33: {  	p0 =	seq.s32 s10, $0x1;
	s10 =	sld [smem:$0x3FB7];
	_ =	sdelay $0x3  }
0x34: {  	[smem:$0x3FB7] =	sst s10  }
0x35: {  	s10 =	sld [smem:$0x3FB6];
	_ =	sdelay $0x3  }
0x36: {  	p1 =	seq.s32 s10, $0x1;
	s10 =	sld [smem:$0x3FB7];
	_ =	sdelay $0x3  }
0x37: {  	[smem:$0x3FB7] =	sst s10  }
0x38: {  	s10 =	sld [smem:$0x3FB8]  }
0x39: {  	_ = 	snop;
	(pc) =	sbr.ind lr, $3  }
0x3a: {  	_ = 	snop  }
0x3b: {  	_ = 	snop  }
0x3c: {  	p2 =	seq.s32 s10, $0x1;
	s10 =	sld [smem:$0x3FB7]  }
0x3d: {  	_ =	shalt  }
0x3e: {  	_ =	shalt  }
0x3f: {  	_ =	shalt  }
0x40: {  	_ =	shalt  }
0x41: {  	_ =	shalt  }
0x42: {  	_ =	shalt  }
0x43: {  	_ =	shalt  }
0x44: {  	_ =	shalt  }
0x45: {  	_ =	shalt  }
0x46: {  	_ =	shalt  }
0x47: {  	_ =	shalt  }
0x48: {  	_ =	shalt  }
0x49: {  	_ =	shalt  }
0x4a: {  	_ =	shalt  }
0x4b: {  	_ =	shalt  }
0x4c: {  	_ =	shalt  }
0x4d: {  	_ =	shalt  }
0x4e: {  	_ =	shalt  }
0x4f: {  	_ =	shalt  }
0x50: {  	_ =	shalt  }
0x51: {  	_ =	shalt  }
0x52: {  	_ =	shalt  }
0x53: {  	_ =	shalt  }
0x54: {  	_ =	shalt  }
0x55: {  	_ =	shalt  }
0x56: {  	_ =	shalt  }
0x57: {  	_ =	shalt  }
0x58: {  	_ =	shalt  }
0x59: {  	_ =	shalt  }
0x5a: {  	_ =	shalt  }
0x5b: {  	_ =	shalt  }
0x5c: {  	_ =	shalt  }
0x5d: {  	_ =	shalt  }
0x5e: {  	_ =	shalt  }
0x5f: {  	_ =	shalt  }
0x60: {  	_ =	shalt  }
0x61: {  	_ =	shalt  }
0x62: {  	_ =	shalt  }
0x63: {  	_ =	shalt  }
0x64: {  	_ =	shalt  }
0x65: {  	_ =	shalt  }
0x66: {  	_ =	shalt  }
0x67: {  	_ =	shalt  }
0x68: {  	_ =	shalt  }
0x69: {  	_ =	shalt  }
0x6a: {  	_ =	shalt  }
0x6b: {  	_ =	shalt  }
0x6c: {  	_ =	shalt  }
0x6d: {  	_ =	shalt  }
0x6e: {  	_ =	shalt  }
0x6f: {  	_ =	shalt  }
0x70: {  	_ =	shalt  }
0x71: {  	_ =	shalt  }
0x72: {  	_ =	shalt  }
0x73: {  	_ =	shalt  }
0x74: {  	_ =	shalt  }
0x75: {  	_ =	shalt  }
0x76: {  	_ =	shalt  }
0x77: {  	_ =	shalt  }
0x78: {  	_ =	shalt  }
0x79: {  	_ =	shalt  }
0x7a: {  	_ =	shalt  }
0x7b: {  	_ =	shalt  }
0x7c: {  	_ =	shalt  }
0x7d: {  	_ =	shalt  }
0x7e: {  	_ =	shalt  }
0x7f: {  	_ =	shalt  }
0x80: {  	_ =	shalt  }
0x81: {  	_ =	shalt  }
0x82: {  	_ =	shalt  }
0x83: {  	_ =	shalt  }
0x84: {  	_ =	shalt  }
0x85: {  	_ =	shalt  }
0x86: {  	_ =	shalt  }
0x87: {  	_ =	shalt  }
.Lfunc_end0:
.L_simem_size_0:
called_computation_lowered:
.L_overlay_start_0:
0x88: {  	s2 =	sld [smem:$0x3FD9]  }
0x89: {  	s3 =	sld [smem:$0x3FFE];
	_ =	sdelay $0x1  }
0x8a: {  	s1 =	srdreg.scid  }
0x8b: {  	s0 =	sand.u32 $0x1, s1  }
0x8c: {  	s14 =	sshll.u32 s0, $0xA;
	s2 =	sadd.s32 s3, s2  }
0x8d: {  	s2 =	sadd.s32 s2, s14  }
0x8e: {  	[smem:$0x3FC3] =	sst s2  }
0x8f: {  	_ = 	snop  }
0x90: {  	s2 =	sld [smem:$0x3FD0];
	_ =	sdelay $0x2  }
0x91: {  	s4 =	simm.s32 $0xA;
	s5 =	simm.s32 $0x10;
	s15 =	sld [smem:$0x3FC8]  }
0x92: {  	[smem:s5], [sflag:s4] =	dma.local [hbm:s2], $0x1  }
0x93: {  	_ =	swait.eq [sflag:s4], $0x1  }
0x94: {  	[sflag:s4] =	ssyncset.done $0x0  }
0x95: {  	[sflag:s4] =	ssyncadd.s32 $0xFFFFFFFF  }
0x96: {  	s16 =	sld [smem:$0x10];
	(tm) =	ssettm $0x1  }
0x97: {  	s17 =	sld [smem:$0x3FFB];
	_ =	sdelay $0x3  }
0x98: {  	_ =	strace s17  }
0x99: {  	s4 =	sld [smem:$0x3FFC];
	_ =	sdelay $0x3  }
0x9a: {  	_ =	strace s4  }
0x9b: {  	s4 =	sld [smem:$0x3FFD];
	_ =	sdelay $0x3  }
0x9c: {  	_ =	strace s4  }
0x9d: {  	_ =	strace $0x8FFFFFFF  }
0x9e: {  	s18 =	sld [smem:$0x3FDB];
	_ =	sdelay $0x1  }
0x9f: {  	s19 =	simm.s32 $_scs_section_size  }
0xa0: {  	s6 =	simm.s32 $_size__tile_overlayer_lowered;
	s7 =	simm.s32 $_tile_overlayer_lowered  }
0xa1: {  	s22 =	simm.s32 $0x1BFF;
	s21 =	sshll.u32 s7, $0x1;
	s4 =	sadd.s32 s19, s18  }
0xa2: {  	s8 =	simm.s32 $0x0;
	s20 =	sshll.u32 s6, $0x1;
	s6 =	sadd.s32 s21, s4  }
0xa3: {  	[timem:s8], [sflag:s22] =	dma.local [hbm:s6], s20  }
0xa4: {  	_ =	swait.ge [sflag:s22], s20  }
0xa5: {  	s5 =	ssub.s32 $0x0, s20;
	[sflag:s22] =	ssyncset.done $0x0  }
0xa6: {  	[sflag:s22] =	ssyncadd.s32 s5;
	_ =	sdelay $0x1  }
0xa7: {  	s23 =	simm.s32 $0x1B8B  }
0xa8: {  	_ =	swait.ge [sflag:s23], $0x1  }
0xa9: {  	[sflag:s23] =	ssyncset.done $0x0  }
0xaa: {  	s25 =	simm.s32 $0x1B8E;
	s24 =	sld [smem:$0x3FFE];
	[sflag:s23] =	ssyncadd.s32 $0xFFFFFFFF  }
0xab: {  	s26 =	simm.s32 $execute0_lowered;
	[smem:$0x3FD2] =	sst s25  }
0xac: {  	s6 =	sshll.u32 s26, $0x1;
	_ =	strace $0x80000046;
	[dreg:$0x1] =	wrdreg $0xFFFFFFFF  }
0xad: {  	s28 =	simm.s32 $_size_execute0_lowered;
	s4 =	sadd.s32 s4, s6;
	[dreg:$0x0] =	wrdreg $0x0  }
0xae: {  	s6 =	sshll.u32 s28, $0x1;
	[dreg:$0x2] =	wrdreg s4  }
0xaf: {  	[dreg:$0x3] =	wrdreg s6  }
0xb0: {  	[dreg:$0x4] =	wrdreg $0xC0  }
0xb1: {  	_ =	task [dreg:s8], $0x5FFFF  }
0xb2: {  	[dreg:$0x1] =	wrdreg $0xFFFFFFFF  }
0xb3: {  	[dreg:$0x0] =	wrdreg $0x60  }
0xb4: {  	[dreg:$0x2] =	wrdreg s15  }
0xb5: {  	[dreg:$0x3] =	wrdreg s16  }
0xb6: {  	[dreg:$0x4] =	wrdreg s24  }
0xb7: {  	[dreg:$0x5] =	wrdreg $0x9  }
0xb8: {  	_ =	task.clear_ibuf [dreg:s8], $0x6FFFF;
	_ =	strace $0x90000046  }
0xb9: {  	s29 =	simm.s32 $0x9;
	_ =	strace $0x80000048  }
0xba: {  	_ =	swait.ge [sflag:s29], $0x1  }
0xbb: {  	[sflag:s29] =	ssyncadd.s32 $0xFFFFFFFF  }
0xbc: {  	_ =	strace $0x90000048  }
0xbd: {  	_ =	sfence  }
0xbe: {  	s30 =	sld [smem:$0x0];
	_ =	sdelay $0x2  }
0xbf: {  	s31 =	sshll.u32 s1, $0xD;
	s1 =	sshrl.u32 s1, $0x2  }
0xc0: {  	s3 =	sand.u32 $0x4000, s31;
	s1 =	sadd.s32 s1, s30  }
0xc1: {  	s0 =	sor.u32 s3, s0;
	s1 =	sshll.u32 s1, $0x11  }
0xc2: {  	s0 =	sor.u32 s1, s0  }
0xc3: {  	s0 =	sadd.s32 $0x8F2B, s0  }
0xc4: {  	[sflag:s0] =	ssyncadd.remote.s32 $0x1  }
0xc5: {  	_ =	sfence.sel $0xFFFF  }
0xc6: {  	[dreg:$0x0] =	wrdreg $0xFFFFFFFF;
	(pc) =	sbr.abs _section_cstart, $3  }
0xc7: {  	[dreg:$0x1] =	wrdreg $0xFFFFFFFF  }
0xc8: {  	_ =	task.clear_ibuf [dreg:s8], $0x2FFFF;
	_ =	strace $0x9FFFFFFF  }
0xc9: {  	(tm) =	ssettm $0x7FFFFFFF  }
tec
execute0_lowered:
.L_overlay_start_1:
0x0: {  	(tag) =	ssettag $0x1  }
0x1: {  	s0 =	rddreg [dreg:$0x0]  }
0x2: {  	s1 =	srdreg.scid;
	s4 =	rddreg [dreg:$0x1]  }
0x3: {  	s5 =	rddreg [dreg:$0x2];
	s2 =	stileid.u32;
	s3 =	simm.s32 $0x0  }
0x4: {  	s10 =	simm.s32 $0x7;
	s11 =	simm.s32 $0x800;
	s12 =	simm.s32 $0x1000  }
0x5: {  	s13 =	simm.s32 $0x1800;
	s14 =	simm.s32 $0x2000;
	s1 =	sand.u32 $0x1, s1  }
0x6: {  	s15 =	simm.s32 $0x2800;
	s28 =	simm.s32 $0x4;
	s6 =	sshll.u32 s1, $0x4  }
0x7: {  	s29 =	simm.s32 $0x2;
	s30 =	simm.s32 $0x5;
	s6 =	sor.u32 s2, s6  }
0x8: {  	s31 =	simm.s32 $0x3;
	[smem:$0x7FF] =	sst s3;
	s7 =	smul.u32 $0x5000, s6  }
0x9: {  	s5 =	sadd.s32 $0xE00, s5;
	_ =	strace $0x80000047;
	s8 =	sshll.u32 s6, $0x8  }
0xa: {  	s6 =	smul.u32 $0x28000, s6;
	s8 =	sadd.s32 s4, s8;
	s4 =	sadd.s32 s5, s7  }
0xb: {  	s1 =	ssub.s32 $0x2, s1;
	[dreg:$0x4] =	wrdreg s8;
	s7 =	sadd.s32 $0x500, s4  }
0xc: {  	s6 =	sshrl.u32 s6, $0x3;
	s16 =	sadd.s32 $0xA00, s4;
	[dreg:$0x5] =	wrdreg s7  }
0xd: {  	s17 =	sadd.s32 $0xF00, s4;
	s18 =	sadd.s32 s5, s6;
	[dreg:$0x6] =	wrdreg s16  }
0xe: {  	s25 =	sshrl.u32 s1, $0x1;
	[dreg:$0x7] =	wrdreg s17;
	s5 =	sadd.s32 $0x1400, s18  }
0xf: {  	s1 =	ssub.s32 s1, s25;
	s19 =	sadd.s32 $0x1900, s18;
	[dreg:$0x8] =	wrdreg s5  }
0x10: {  	s25 =	simm.s32 $0x7800;
	s20 =	sadd.s32 $0x1E00, s18;
	[dreg:$0x9] =	wrdreg s19  }
0x11: {  	s9 =	smax.u32 s1, $0x1;
	s21 =	sadd.s32 $0x2300, s18;
	[dreg:$0xa] =	wrdreg s20  }
0x12: {  	s1 =	simm.s32 $0x6;
	s22 =	sadd.s32 $0x2800, s18;
	[dreg:$0xb] =	wrdreg s21  }
0x13: {  	s23 =	sadd.s32 $0x2D00, s18;
	s24 =	sadd.s32 $0x3200, s18;
	[dreg:$0xc] =	wrdreg s22  }
0x14: {  	s26 =	sadd.s32 $0x3700, s18;
	s6 =	sadd.s32 $0x4100, s18;
	[dreg:$0xd] =	wrdreg s23  }
0x15: {  	s7 =	sadd.s32 $0x4600, s18;
	s8 =	sadd.s32 $0x4B00, s18;
	[dreg:$0xe] =	wrdreg s24  }
0x16: {  	s16 =	simm.s32 $0x3000;
	s17 =	simm.s32 $0x3800;
	[dreg:$0xf] =	wrdreg s26  }
0x17: {  	v2 =	vlaneseq.u32;
	s5 =	sadd.s32 $0x3C00, s18;
	s18 =	simm.s32 $0x4000;
	s19 =	simm.s32 $0x4800  }
0x18: {  	vm0 =	vmmov $0xffff;
	v1 =	vshrl.u32 v2, $0x3;
	s20 =	simm.s32 $0x5000;
	s21 =	simm.s32 $0x5800;
	s22 =	simm.s32 $0x6000  }
0x19: {  	v0 =	vand.u32 $0x7, v2;
	v2 =	vor.u32 $0x8, v2;
	v1 =	vmul.u32 $0x8, v1;
	s23 =	simm.s32 $0x6800;
	s24 =	simm.s32 $0x7000;
	s26 =	simm.s32 $0x1  }
.LBB2_1:
0x1a: {  	s2 =	rddreg [dreg:$0x4]  }
0x1b: {  	[tilespmem:s3], [sflag:$0x7] =	stream.linear.gather [hbm4b:s2+s3], $0x800, $0x38;
	[tilespmem:$0x8000] =	vst v63  }
0x1c: {  	_ =	swait.ge [sflag:s10], $0x800  }
0x1d: {  	[sflag:s10] =	ssyncset.done $0x0  }
0x1e: {  	[sflag:s10] =	ssyncadd.s32 $0xFFFFF800  }
0x1f: {  	v3 =	vld [tilespmem:$0x0];
	_ =	sdelay $0x4  }
0x20: {  	v4 =	vshll.u32 v3, $0x1  }
0x21: {  	v3 =	vand.u32 $0x7, v3;
	v4 =	vand.u32 $0xFFFFFFF0, v4  }
0x22: {  	v3 =	vor.u32 v3, v4  }
0x23: {  	v4 =	vperm.xlane v3, v0;
	_ =	sdelay $0x1  }
0x24: {  	v3 =	vperm.xlane v3, v2;
	v4 =	vadd.s32 v1, v4;
	_ =	sdelay $0x1  }
0x25: {  	v3 =	vadd.s32 v1, v3;
	_ =	sdelay $0x2  }
0x26: {  	[tilespmem:s11], [sflag:$0x1] =	stream.indirect_vreg.gather [hbm4b:s0+s3], $0x80, v4, vm0, $0xb8;
	[tilespmem:$0x8000] =	vst v63  }
0x27: {  	_ = 	snop  }
0x28: {  	[tilespmem:s12], [sflag:$0x1] =	stream.indirect_vreg.gather [hbm4b:s0+s3], $0x80, v3, vm0, $0xb8;
	[tilespmem:$0x8000] =	vst v63  }
0x29: {  	v3 =	vld [tilespmem:$0x10];
	_ =	sdelay $0x4  }
0x2a: {  	v17 =	vshll.u32 v3, $0x1  }
0x2b: {  	v3 =	vand.u32 $0x7, v3;
	v4 =	vand.u32 $0xFFFFFFF0, v17  }
0x2c: {  	v3 =	vor.u32 v3, v4  }
0x2d: {  	v4 =	vperm.xlane v3, v0;
	_ =	sdelay $0x1  }
0x2e: {  	v3 =	vperm.xlane v3, v2;
	v4 =	vadd.s32 v1, v4;
	_ =	sdelay $0x1  }
0x2f: {  	v3 =	vadd.s32 v1, v3;
	_ =	sdelay $0x2  }
0x30: {  	[tilespmem:s13], [sflag:$0x1] =	stream.indirect_vreg.gather [hbm4b:s0+s3], $0x80, v4, vm0, $0xb8;
	[tilespmem:$0x8000] =	vst v63  }
0x31: {  	_ = 	snop  }
0x32: {  	[tilespmem:s14], [sflag:$0x1] =	stream.indirect_vreg.gather [hbm4b:s0+s3], $0x80, v3, vm0, $0xb8;
	[tilespmem:$0x8000] =	vst v63  }
0x33: {  	v3 =	vld.msk [tilespmem:$0x20], $0xff;
	_ =	sdelay $0x4  }
0x34: {  	v18 =	vshll.u32 v3, $0x1  }
0x35: {  	v3 =	vand.u32 $0x7, v3;
	v4 =	vand.u32 $0xFFFFFFF0, v18  }
0x36: {  	v3 =	vor.u32 v3, v4  }
0x37: {  	v3 =	vperm.xlane v3, v0;
	_ =	sdelay $0x1  }
0x38: {  	v3 =	vadd.s32 v1, v3;
	_ =	sdelay $0x4  }
0x39: {  	[tilespmem:s15], [sflag:$0x1] =	stream.indirect_vreg.gather [hbm4b:s0+s3], $0x80, v3, vm0, $0xb8;
	[tilespmem:$0x8000] =	vst v63  }
0x3a: {  	v3 =	vld [tilespmem:$0x80];
	_ =	sdelay $0x4  }
0x3b: {  	v19 =	vshll.u32 v3, $0x1  }
0x3c: {  	v3 =	vand.u32 $0x7, v3;
	v4 =	vand.u32 $0xFFFFFFF0, v19  }
0x3d: {  	v3 =	vor.u32 v3, v4  }
0x3e: {  	v4 =	vperm.xlane v3, v0;
	_ =	sdelay $0x1  }
0x3f: {  	v3 =	vperm.xlane v3, v2;
	v4 =	vadd.s32 v1, v4;
	_ =	sdelay $0x1  }
0x40: {  	v3 =	vadd.s32 v1, v3;
	_ =	sdelay $0x2  }
0x41: {  	[tilespmem:s16], [sflag:$0x2] =	stream.indirect_vreg.gather [hbm4b:s0+s3], $0x80, v4, vm0, $0xb8;
	[tilespmem:$0x8000] =	vst v63  }
0x42: {  	_ = 	snop  }
0x43: {  	[tilespmem:s17], [sflag:$0x2] =	stream.indirect_vreg.gather [hbm4b:s0+s3], $0x80, v3, vm0, $0xb8;
	[tilespmem:$0x8000] =	vst v63  }
0x44: {  	v3 =	vld [tilespmem:$0x90];
	_ =	sdelay $0x4  }
0x45: {  	v20 =	vshll.u32 v3, $0x1  }
0x46: {  	v3 =	vand.u32 $0x7, v3;
	v4 =	vand.u32 $0xFFFFFFF0, v20  }
0x47: {  	v3 =	vor.u32 v3, v4  }
0x48: {  	v4 =	vperm.xlane v3, v0;
	_ =	sdelay $0x1  }
0x49: {  	v3 =	vperm.xlane v3, v2;
	v4 =	vadd.s32 v1, v4;
	_ =	sdelay $0x1  }
0x4a: {  	v3 =	vadd.s32 v1, v3;
	_ =	sdelay $0x2  }
0x4b: {  	[tilespmem:s18], [sflag:$0x2] =	stream.indirect_vreg.gather [hbm4b:s0+s3], $0x80, v4, vm0, $0xb8;
	[tilespmem:$0x8000] =	vst v63  }
0x4c: {  	_ = 	snop  }
0x4d: {  	[tilespmem:s19], [sflag:$0x2] =	stream.indirect_vreg.gather [hbm4b:s0+s3], $0x80, v3, vm0, $0xb8;
	[tilespmem:$0x8000] =	vst v63  }
0x4e: {  	v3 =	vld.msk [tilespmem:$0xA0], $0xff;
	_ =	sdelay $0x4  }
0x4f: {  	v21 =	vshll.u32 v3, $0x1  }
0x50: {  	v3 =	vand.u32 $0x7, v3;
	v4 =	vand.u32 $0xFFFFFFF0, v21  }
0x51: {  	v3 =	vor.u32 v3, v4  }
0x52: {  	v3 =	vperm.xlane v3, v0;
	_ =	sdelay $0x1  }
0x53: {  	v3 =	vadd.s32 v1, v3;
	_ =	sdelay $0x4  }
0x54: {  	[tilespmem:s20], [sflag:$0x2] =	stream.indirect_vreg.gather [hbm4b:s0+s3], $0x80, v3, vm0, $0xb8;
	[tilespmem:$0x8000] =	vst v63  }
0x55: {  	v3 =	vld [tilespmem:$0x100];
	_ =	sdelay $0x4  }
0x56: {  	v22 =	vshll.u32 v3, $0x1  }
0x57: {  	v3 =	vand.u32 $0x7, v3;
	v4 =	vand.u32 $0xFFFFFFF0, v22  }
0x58: {  	v3 =	vor.u32 v3, v4  }
0x59: {  	v4 =	vperm.xlane v3, v0;
	_ =	sdelay $0x1  }
0x5a: {  	v3 =	vperm.xlane v3, v2;
	v4 =	vadd.s32 v1, v4;
	_ =	sdelay $0x1  }
0x5b: {  	v3 =	vadd.s32 v1, v3;
	_ =	sdelay $0x2  }
0x5c: {  	[tilespmem:s21], [sflag:$0x3] =	stream.indirect_vreg.gather [hbm4b:s0+s3], $0x80, v4, vm0, $0xb8;
	[tilespmem:$0x8000] =	vst v63  }
0x5d: {  	_ = 	snop  }
0x5e: {  	[tilespmem:s22], [sflag:$0x3] =	stream.indirect_vreg.gather [hbm4b:s0+s3], $0x80, v3, vm0, $0xb8;
	[tilespmem:$0x8000] =	vst v63  }
0x5f: {  	v3 =	vld [tilespmem:$0x110];
	_ =	sdelay $0x4  }
0x60: {  	v23 =	vshll.u32 v3, $0x1  }
0x61: {  	v3 =	vand.u32 $0x7, v3;
	v4 =	vand.u32 $0xFFFFFFF0, v23  }
0x62: {  	v3 =	vor.u32 v3, v4  }
0x63: {  	v4 =	vperm.xlane v3, v0;
	_ =	sdelay $0x1  }
0x64: {  	v3 =	vperm.xlane v3, v2;
	v4 =	vadd.s32 v1, v4;
	_ =	sdelay $0x1  }
0x65: {  	v3 =	vadd.s32 v1, v3;
	_ =	sdelay $0x2  }
0x66: {  	[tilespmem:s23], [sflag:$0x3] =	stream.indirect_vreg.gather [hbm4b:s0+s3], $0x80, v4, vm0, $0xb8;
	[tilespmem:$0x8000] =	vst v63  }
0x67: {  	_ = 	snop  }
0x68: {  	[tilespmem:s24], [sflag:$0x3] =	stream.indirect_vreg.gather [hbm4b:s0+s3], $0x80, v3, vm0, $0xb8;
	[tilespmem:$0x8000] =	vst v63  }
0x69: {  	v3 =	vld.msk [tilespmem:$0x120], $0xff;
	_ =	sdelay $0x4  }
0x6a: {  	v24 =	vshll.u32 v3, $0x1  }
0x6b: {  	v3 =	vand.u32 $0x7, v3;
	v4 =	vand.u32 $0xFFFFFFF0, v24  }
0x6c: {  	v3 =	vor.u32 v3, v4  }
0x6d: {  	v3 =	vperm.xlane v3, v0;
	_ =	sdelay $0x1  }
0x6e: {  	v3 =	vadd.s32 v1, v3;
	_ =	sdelay $0x4  }
0x6f: {  	[tilespmem:s25], [sflag:$0x3] =	stream.indirect_vreg.gather [hbm4b:s0+s3], $0x80, v3, vm0, $0xb8;
	[tilespmem:$0x8000] =	vst v63  }
0x70: {  	_ =	swait.ge [sflag:s26], $0x2800  }
0x71: {  	[sflag:s26] =	ssyncset.done $0x0  }
0x72: {  	[sflag:s26] =	ssyncadd.s32 $0xFFFFD800  }
0x73: {  	[hbm4b:s4+s3] =	stream.linear.scatter [tilespmem:s11], [sflag:$0x4], $0x2800, $0x38;
	[tilespmem:$0x8000] =	vst v63  }
0x74: {  	_ =	swait.ge [sflag:s28], $0x2800  }
0x75: {  	[sflag:s28] =	ssyncset.done $0x0  }
0x76: {  	[sflag:s28] =	ssyncadd.s32 $0xFFFFD800  }
0x77: {  	v3 =	vld [tilespmem:$0x180];
	_ =	sdelay $0x4  }
0x78: {  	v25 =	vshll.u32 v3, $0x1  }
0x79: {  	v3 =	vand.u32 $0x7, v3;
	v4 =	vand.u32 $0xFFFFFFF0, v25  }
0x7a: {  	v3 =	vor.u32 v3, v4  }
0x7b: {  	v4 =	vperm.xlane v3, v0;
	_ =	sdelay $0x1  }
0x7c: {  	v3 =	vperm.xlane v3, v2;
	v4 =	vadd.s32 v1, v4;
	_ =	sdelay $0x1  }
0x7d: {  	v3 =	vadd.s32 v1, v3;
	_ =	sdelay $0x2  }
0x7e: {  	[tilespmem:s11], [sflag:$0x1] =	stream.indirect_vreg.gather [hbm4b:s0+s3], $0x80, v4, vm0, $0xb8;
	[tilespmem:$0x8000] =	vst v63  }
0x7f: {  	_ = 	snop  }
0x80: {  	[tilespmem:s12], [sflag:$0x1] =	stream.indirect_vreg.gather [hbm4b:s0+s3], $0x80, v3, vm0, $0xb8;
	[tilespmem:$0x8000] =	vst v63  }
0x81: {  	v3 =	vld [tilespmem:$0x190];
	_ =	sdelay $0x4  }
0x82: {  	v26 =	vshll.u32 v3, $0x1  }
0x83: {  	v3 =	vand.u32 $0x7, v3;
	v4 =	vand.u32 $0xFFFFFFF0, v26  }
0x84: {  	v3 =	vor.u32 v3, v4  }
0x85: {  	v4 =	vperm.xlane v3, v0;
	_ =	sdelay $0x1  }
0x86: {  	v3 =	vperm.xlane v3, v2;
	v4 =	vadd.s32 v1, v4;
	_ =	sdelay $0x1  }
0x87: {  	v3 =	vadd.s32 v1, v3;
	_ =	sdelay $0x2  }
0x88: {  	[tilespmem:s13], [sflag:$0x1] =	stream.indirect_vreg.gather [hbm4b:s0+s3], $0x80, v4, vm0, $0xb8;
	[tilespmem:$0x8000] =	vst v63  }
0x89: {  	_ = 	snop  }
0x8a: {  	[tilespmem:s14], [sflag:$0x1] =	stream.indirect_vreg.gather [hbm4b:s0+s3], $0x80, v3, vm0, $0xb8;
	[tilespmem:$0x8000] =	vst v63  }
0x8b: {  	v3 =	vld.msk [tilespmem:$0x1A0], $0xff;
	_ =	sdelay $0x4  }
0x8c: {  	v27 =	vshll.u32 v3, $0x1  }
0x8d: {  	v3 =	vand.u32 $0x7, v3;
	v4 =	vand.u32 $0xFFFFFFF0, v27  }
0x8e: {  	v3 =	vor.u32 v3, v4  }
0x8f: {  	v3 =	vperm.xlane v3, v0;
	_ =	sdelay $0x1  }
0x90: {  	v3 =	vadd.s32 v1, v3;
	_ =	sdelay $0x4  }
0x91: {  	[tilespmem:s15], [sflag:$0x1] =	stream.indirect_vreg.gather [hbm4b:s0+s3], $0x80, v3, vm0, $0xb8;
	[tilespmem:$0x8000] =	vst v63  }
0x92: {  	_ =	swait.ge [sflag:s29], $0x2800  }
0x93: {  	[sflag:s29] =	ssyncset.done $0x0  }
0x94: {  	s2 =	rddreg [dreg:$0x5];
	[sflag:s29] =	ssyncadd.s32 $0xFFFFD800  }
0x95: {  	[hbm4b:s2+s3] =	stream.linear.scatter [tilespmem:s16], [sflag:$0x5], $0x2800, $0x38;
	[tilespmem:$0x8000] =	vst v63  }
0x96: {  	_ =	swait.ge [sflag:s30], $0x2800  }
0x97: {  	[sflag:s30] =	ssyncset.done $0x0  }
0x98: {  	[sflag:s30] =	ssyncadd.s32 $0xFFFFD800  }
0x99: {  	v3 =	vld [tilespmem:$0x200];
	_ =	sdelay $0x4  }
0x9a: {  	v28 =	vshll.u32 v3, $0x1  }
0x9b: {  	v3 =	vand.u32 $0x7, v3;
	v4 =	vand.u32 $0xFFFFFFF0, v28  }
0x9c: {  	v3 =	vor.u32 v3, v4  }
0x9d: {  	v4 =	vperm.xlane v3, v0;
	_ =	sdelay $0x1  }
0x9e: {  	v3 =	vperm.xlane v3, v2;
	v4 =	vadd.s32 v1, v4;
	_ =	sdelay $0x1  }
0x9f: {  	v3 =	vadd.s32 v1, v3;
	_ =	sdelay $0x2  }
0xa0: {  	[tilespmem:s16], [sflag:$0x2] =	stream.indirect_vreg.gather [hbm4b:s0+s3], $0x80, v4, vm0, $0xb8;
	[tilespmem:$0x8000] =	vst v63  }
0xa1: {  	_ = 	snop  }
0xa2: {  	[tilespmem:s17], [sflag:$0x2] =	stream.indirect_vreg.gather [hbm4b:s0+s3], $0x80, v3, vm0, $0xb8;
	[tilespmem:$0x8000] =	vst v63  }
0xa3: {  	v3 =	vld [tilespmem:$0x210];
	_ =	sdelay $0x4  }
0xa4: {  	v29 =	vshll.u32 v3, $0x1  }
0xa5: {  	v3 =	vand.u32 $0x7, v3;
	v4 =	vand.u32 $0xFFFFFFF0, v29  }
0xa6: {  	v3 =	vor.u32 v3, v4  }
0xa7: {  	v4 =	vperm.xlane v3, v0;
	_ =	sdelay $0x1  }
0xa8: {  	v3 =	vperm.xlane v3, v2;
	v4 =	vadd.s32 v1, v4;
	_ =	sdelay $0x1  }
0xa9: {  	v3 =	vadd.s32 v1, v3;
	_ =	sdelay $0x2  }
0xaa: {  	[tilespmem:s18], [sflag:$0x2] =	stream.indirect_vreg.gather [hbm4b:s0+s3], $0x80, v4, vm0, $0xb8;
	[tilespmem:$0x8000] =	vst v63  }
0xab: {  	_ = 	snop  }
0xac: {  	[tilespmem:s19], [sflag:$0x2] =	stream.indirect_vreg.gather [hbm4b:s0+s3], $0x80, v3, vm0, $0xb8;
	[tilespmem:$0x8000] =	vst v63  }
0xad: {  	v3 =	vld.msk [tilespmem:$0x220], $0xff;
	_ =	sdelay $0x4  }
0xae: {  	v30 =	vshll.u32 v3, $0x1  }
0xaf: {  	v3 =	vand.u32 $0x7, v3;
	v4 =	vand.u32 $0xFFFFFFF0, v30  }
0xb0: {  	v3 =	vor.u32 v3, v4  }
0xb1: {  	v3 =	vperm.xlane v3, v0;
	_ =	sdelay $0x1  }
0xb2: {  	v3 =	vadd.s32 v1, v3;
	_ =	sdelay $0x4  }
0xb3: {  	[tilespmem:s20], [sflag:$0x2] =	stream.indirect_vreg.gather [hbm4b:s0+s3], $0x80, v3, vm0, $0xb8;
	[tilespmem:$0x8000] =	vst v63  }
0xb4: {  	_ =	swait.ge [sflag:s31], $0x2800  }
0xb5: {  	[sflag:s31] =	ssyncset.done $0x0  }
0xb6: {  	s2 =	rddreg [dreg:$0x6];
	[sflag:s31] =	ssyncadd.s32 $0xFFFFD800  }
0xb7: {  	[hbm4b:s2+s3] =	stream.linear.scatter [tilespmem:s21], [sflag:$0x6], $0x2800, $0x38;
	[tilespmem:$0x8000] =	vst v63  }
0xb8: {  	_ =	swait.ge [sflag:s1], $0x2800  }
0xb9: {  	[sflag:s1] =	ssyncset.done $0x0  }
0xba: {  	[sflag:s1] =	ssyncadd.s32 $0xFFFFD800  }
0xbb: {  	v3 =	vld [tilespmem:$0x280];
	_ =	sdelay $0x4  }
0xbc: {  	v31 =	vshll.u32 v3, $0x1  }
0xbd: {  	v3 =	vand.u32 $0x7, v3;
	v4 =	vand.u32 $0xFFFFFFF0, v31  }
0xbe: {  	v3 =	vor.u32 v3, v4  }
0xbf: {  	v4 =	vperm.xlane v3, v0;
	_ =	sdelay $0x1  }
0xc0: {  	v3 =	vperm.xlane v3, v2;
	v4 =	vadd.s32 v1, v4;
	_ =	sdelay $0x1  }
0xc1: {  	v3 =	vadd.s32 v1, v3;
	_ =	sdelay $0x2  }
0xc2: {  	[tilespmem:s21], [sflag:$0x3] =	stream.indirect_vreg.gather [hbm4b:s0+s3], $0x80, v4, vm0, $0xb8;
	[tilespmem:$0x8000] =	vst v63  }
0xc3: {  	_ = 	snop  }
0xc4: {  	[tilespmem:s22], [sflag:$0x3] =	stream.indirect_vreg.gather [hbm4b:s0+s3], $0x80, v3, vm0, $0xb8;
	[tilespmem:$0x8000] =	vst v63  }
0xc5: {  	v3 =	vld [tilespmem:$0x290];
	_ =	sdelay $0x4  }
0xc6: {  	v32 =	vshll.u32 v3, $0x1  }
0xc7: {  	v3 =	vand.u32 $0x7, v3;
	v4 =	vand.u32 $0xFFFFFFF0, v32  }
0xc8: {  	v3 =	vor.u32 v3, v4  }
0xc9: {  	v4 =	vperm.xlane v3, v0;
	_ =	sdelay $0x1  }
0xca: {  	v3 =	vperm.xlane v3, v2;
	v4 =	vadd.s32 v1, v4;
	_ =	sdelay $0x1  }
0xcb: {  	v3 =	vadd.s32 v1, v3;
	_ =	sdelay $0x2  }
0xcc: {  	[tilespmem:s23], [sflag:$0x3] =	stream.indirect_vreg.gather [hbm4b:s0+s3], $0x80, v4, vm0, $0xb8;
	[tilespmem:$0x8000] =	vst v63  }
0xcd: {  	_ = 	snop  }
0xce: {  	[tilespmem:s24], [sflag:$0x3] =	stream.indirect_vreg.gather [hbm4b:s0+s3], $0x80, v3, vm0, $0xb8;
	[tilespmem:$0x8000] =	vst v63  }
0xcf: {  	v3 =	vld.msk [tilespmem:$0x2A0], $0xff;
	_ =	sdelay $0x4  }
0xd0: {  	v33 =	vshll.u32 v3, $0x1  }
0xd1: {  	v3 =	vand.u32 $0x7, v3;
	v4 =	vand.u32 $0xFFFFFFF0, v33  }
0xd2: {  	v3 =	vor.u32 v3, v4  }
0xd3: {  	v3 =	vperm.xlane v3, v0;
	_ =	sdelay $0x1  }
0xd4: {  	v3 =	vadd.s32 v1, v3;
	_ =	sdelay $0x4  }
0xd5: {  	[tilespmem:s25], [sflag:$0x3] =	stream.indirect_vreg.gather [hbm4b:s0+s3], $0x80, v3, vm0, $0xb8;
	[tilespmem:$0x8000] =	vst v63  }
0xd6: {  	_ =	swait.ge [sflag:s26], $0x2800  }
0xd7: {  	[sflag:s26] =	ssyncset.done $0x0  }
0xd8: {  	s2 =	rddreg [dreg:$0x7];
	[sflag:s26] =	ssyncadd.s32 $0xFFFFD800  }
0xd9: {  	[hbm4b:s2+s3] =	stream.linear.scatter [tilespmem:s11], [sflag:$0x4], $0x2800, $0x38;
	[tilespmem:$0x8000] =	vst v63  }
0xda: {  	_ =	swait.ge [sflag:s28], $0x2800  }
0xdb: {  	[sflag:s28] =	ssyncset.done $0x0  }
0xdc: {  	[sflag:s28] =	ssyncadd.s32 $0xFFFFD800  }
0xdd: {  	v3 =	vld [tilespmem:$0x300];
	_ =	sdelay $0x4  }
0xde: {  	v34 =	vshll.u32 v3, $0x1  }
0xdf: {  	v3 =	vand.u32 $0x7, v3;
	v4 =	vand.u32 $0xFFFFFFF0, v34  }
0xe0: {  	v3 =	vor.u32 v3, v4  }
0xe1: {  	v4 =	vperm.xlane v3, v0;
	_ =	sdelay $0x1  }
0xe2: {  	v3 =	vperm.xlane v3, v2;
	v4 =	vadd.s32 v1, v4;
	_ =	sdelay $0x1  }
0xe3: {  	v3 =	vadd.s32 v1, v3;
	_ =	sdelay $0x2  }
0xe4: {  	[tilespmem:s11], [sflag:$0x1] =	stream.indirect_vreg.gather [hbm4b:s0+s3], $0x80, v4, vm0, $0xb8;
	[tilespmem:$0x8000] =	vst v63  }
0xe5: {  	_ = 	snop  }
0xe6: {  	[tilespmem:s12], [sflag:$0x1] =	stream.indirect_vreg.gather [hbm4b:s0+s3], $0x80, v3, vm0, $0xb8;
	[tilespmem:$0x8000] =	vst v63  }
0xe7: {  	v3 =	vld [tilespmem:$0x310];
	_ =	sdelay $0x4  }
0xe8: {  	v35 =	vshll.u32 v3, $0x1  }
0xe9: {  	v3 =	vand.u32 $0x7, v3;
	v4 =	vand.u32 $0xFFFFFFF0, v35  }
0xea: {  	v3 =	vor.u32 v3, v4  }
0xeb: {  	v4 =	vperm.xlane v3, v0;
	_ =	sdelay $0x1  }
0xec: {  	v3 =	vperm.xlane v3, v2;
	v4 =	vadd.s32 v1, v4;
	_ =	sdelay $0x1  }
0xed: {  	v3 =	vadd.s32 v1, v3;
	_ =	sdelay $0x2  }
0xee: {  	[tilespmem:s13], [sflag:$0x1] =	stream.indirect_vreg.gather [hbm4b:s0+s3], $0x80, v4, vm0, $0xb8;
	[tilespmem:$0x8000] =	vst v63  }
0xef: {  	_ = 	snop  }
0xf0: {  	[tilespmem:s14], [sflag:$0x1] =	stream.indirect_vreg.gather [hbm4b:s0+s3], $0x80, v3, vm0, $0xb8;
	[tilespmem:$0x8000] =	vst v63  }
0xf1: {  	v3 =	vld.msk [tilespmem:$0x320], $0xff;
	_ =	sdelay $0x4  }
0xf2: {  	v36 =	vshll.u32 v3, $0x1  }
0xf3: {  	v3 =	vand.u32 $0x7, v3;
	v4 =	vand.u32 $0xFFFFFFF0, v36  }
0xf4: {  	v3 =	vor.u32 v3, v4  }
0xf5: {  	v3 =	vperm.xlane v3, v0;
	_ =	sdelay $0x1  }
0xf6: {  	v3 =	vadd.s32 v1, v3;
	_ =	sdelay $0x4  }
0xf7: {  	[tilespmem:s15], [sflag:$0x1] =	stream.indirect_vreg.gather [hbm4b:s0+s3], $0x80, v3, vm0, $0xb8;
	[tilespmem:$0x8000] =	vst v63  }
0xf8: {  	_ =	swait.ge [sflag:s29], $0x2800  }
0xf9: {  	[sflag:s29] =	ssyncset.done $0x0  }
0xfa: {  	s2 =	rddreg [dreg:$0x8];
	[sflag:s29] =	ssyncadd.s32 $0xFFFFD800  }
0xfb: {  	[hbm4b:s2+s3] =	stream.linear.scatter [tilespmem:s16], [sflag:$0x5], $0x2800, $0x38;
	[tilespmem:$0x8000] =	vst v63  }
0xfc: {  	_ =	swait.ge [sflag:s30], $0x2800  }
0xfd: {  	[sflag:s30] =	ssyncset.done $0x0  }
0xfe: {  	[sflag:s30] =	ssyncadd.s32 $0xFFFFD800  }
0xff: {  	v3 =	vld [tilespmem:$0x380];
	_ =	sdelay $0x4  }
0x100: {  	v37 =	vshll.u32 v3, $0x1  }
0x101: {  	v3 =	vand.u32 $0x7, v3;
	v4 =	vand.u32 $0xFFFFFFF0, v37  }
0x102: {  	v3 =	vor.u32 v3, v4  }
0x103: {  	v4 =	vperm.xlane v3, v0;
	_ =	sdelay $0x1  }
0x104: {  	v3 =	vperm.xlane v3, v2;
	v4 =	vadd.s32 v1, v4;
	_ =	sdelay $0x1  }
0x105: {  	v3 =	vadd.s32 v1, v3;
	_ =	sdelay $0x2  }
0x106: {  	[tilespmem:s16], [sflag:$0x2] =	stream.indirect_vreg.gather [hbm4b:s0+s3], $0x80, v4, vm0, $0xb8;
	[tilespmem:$0x8000] =	vst v63  }
0x107: {  	_ = 	snop  }
0x108: {  	[tilespmem:s17], [sflag:$0x2] =	stream.indirect_vreg.gather [hbm4b:s0+s3], $0x80, v3, vm0, $0xb8;
	[tilespmem:$0x8000] =	vst v63  }
0x109: {  	v3 =	vld [tilespmem:$0x390];
	_ =	sdelay $0x4  }
0x10a: {  	v38 =	vshll.u32 v3, $0x1  }
0x10b: {  	v3 =	vand.u32 $0x7, v3;
	v4 =	vand.u32 $0xFFFFFFF0, v38  }
0x10c: {  	v3 =	vor.u32 v3, v4  }
0x10d: {  	v4 =	vperm.xlane v3, v0;
	_ =	sdelay $0x1  }
0x10e: {  	v3 =	vperm.xlane v3, v2;
	v4 =	vadd.s32 v1, v4;
	_ =	sdelay $0x1  }
0x10f: {  	v3 =	vadd.s32 v1, v3;
	_ =	sdelay $0x2  }
0x110: {  	[tilespmem:s18], [sflag:$0x2] =	stream.indirect_vreg.gather [hbm4b:s0+s3], $0x80, v4, vm0, $0xb8;
	[tilespmem:$0x8000] =	vst v63  }
0x111: {  	_ = 	snop  }
0x112: {  	[tilespmem:s19], [sflag:$0x2] =	stream.indirect_vreg.gather [hbm4b:s0+s3], $0x80, v3, vm0, $0xb8;
	[tilespmem:$0x8000] =	vst v63  }
0x113: {  	v3 =	vld.msk [tilespmem:$0x3A0], $0xff;
	_ =	sdelay $0x4  }
0x114: {  	v39 =	vshll.u32 v3, $0x1  }
0x115: {  	v3 =	vand.u32 $0x7, v3;
	v4 =	vand.u32 $0xFFFFFFF0, v39  }
0x116: {  	v3 =	vor.u32 v3, v4  }
0x117: {  	v3 =	vperm.xlane v3, v0;
	_ =	sdelay $0x1  }
0x118: {  	v3 =	vadd.s32 v1, v3;
	_ =	sdelay $0x4  }
0x119: {  	[tilespmem:s20], [sflag:$0x2] =	stream.indirect_vreg.gather [hbm4b:s0+s3], $0x80, v3, vm0, $0xb8;
	[tilespmem:$0x8000] =	vst v63  }
0x11a: {  	_ =	swait.ge [sflag:s31], $0x2800  }
0x11b: {  	[sflag:s31] =	ssyncset.done $0x0  }
0x11c: {  	s2 =	rddreg [dreg:$0x9];
	[sflag:s31] =	ssyncadd.s32 $0xFFFFD800  }
0x11d: {  	[hbm4b:s2+s3] =	stream.linear.scatter [tilespmem:s21], [sflag:$0x6], $0x2800, $0x38;
	[tilespmem:$0x8000] =	vst v63  }
0x11e: {  	_ =	swait.ge [sflag:s1], $0x2800  }
0x11f: {  	[sflag:s1] =	ssyncset.done $0x0  }
0x120: {  	[sflag:s1] =	ssyncadd.s32 $0xFFFFD800  }
0x121: {  	v3 =	vld [tilespmem:$0x400];
	_ =	sdelay $0x4  }
0x122: {  	v40 =	vshll.u32 v3, $0x1  }
0x123: {  	v3 =	vand.u32 $0x7, v3;
	v4 =	vand.u32 $0xFFFFFFF0, v40  }
0x124: {  	v3 =	vor.u32 v3, v4  }
0x125: {  	v4 =	vperm.xlane v3, v0;
	_ =	sdelay $0x1  }
0x126: {  	v3 =	vperm.xlane v3, v2;
	v4 =	vadd.s32 v1, v4;
	_ =	sdelay $0x1  }
0x127: {  	v3 =	vadd.s32 v1, v3;
	_ =	sdelay $0x2  }
0x128: {  	[tilespmem:s21], [sflag:$0x3] =	stream.indirect_vreg.gather [hbm4b:s0+s3], $0x80, v4, vm0, $0xb8;
	[tilespmem:$0x8000] =	vst v63  }
0x129: {  	_ = 	snop  }
0x12a: {  	[tilespmem:s22], [sflag:$0x3] =	stream.indirect_vreg.gather [hbm4b:s0+s3], $0x80, v3, vm0, $0xb8;
	[tilespmem:$0x8000] =	vst v63  }
0x12b: {  	v3 =	vld [tilespmem:$0x410];
	_ =	sdelay $0x4  }
0x12c: {  	v41 =	vshll.u32 v3, $0x1  }
0x12d: {  	v3 =	vand.u32 $0x7, v3;
	v4 =	vand.u32 $0xFFFFFFF0, v41  }
0x12e: {  	v3 =	vor.u32 v3, v4  }
0x12f: {  	v4 =	vperm.xlane v3, v0;
	_ =	sdelay $0x1  }
0x130: {  	v3 =	vperm.xlane v3, v2;
	v4 =	vadd.s32 v1, v4;
	_ =	sdelay $0x1  }
0x131: {  	v3 =	vadd.s32 v1, v3;
	_ =	sdelay $0x2  }
0x132: {  	[tilespmem:s23], [sflag:$0x3] =	stream.indirect_vreg.gather [hbm4b:s0+s3], $0x80, v4, vm0, $0xb8;
	[tilespmem:$0x8000] =	vst v63  }
0x133: {  	_ = 	snop  }
0x134: {  	[tilespmem:s24], [sflag:$0x3] =	stream.indirect_vreg.gather [hbm4b:s0+s3], $0x80, v3, vm0, $0xb8;
	[tilespmem:$0x8000] =	vst v63  }
0x135: {  	v3 =	vld.msk [tilespmem:$0x420], $0xff;
	_ =	sdelay $0x4  }
0x136: {  	v42 =	vshll.u32 v3, $0x1  }
0x137: {  	v3 =	vand.u32 $0x7, v3;
	v4 =	vand.u32 $0xFFFFFFF0, v42  }
0x138: {  	v3 =	vor.u32 v3, v4  }
0x139: {  	v3 =	vperm.xlane v3, v0;
	_ =	sdelay $0x1  }
0x13a: {  	v3 =	vadd.s32 v1, v3;
	_ =	sdelay $0x4  }
0x13b: {  	[tilespmem:s25], [sflag:$0x3] =	stream.indirect_vreg.gather [hbm4b:s0+s3], $0x80, v3, vm0, $0xb8;
	[tilespmem:$0x8000] =	vst v63  }
0x13c: {  	_ =	swait.ge [sflag:s26], $0x2800  }
0x13d: {  	[sflag:s26] =	ssyncset.done $0x0  }
0x13e: {  	s2 =	rddreg [dreg:$0xa];
	[sflag:s26] =	ssyncadd.s32 $0xFFFFD800  }
0x13f: {  	[hbm4b:s2+s3] =	stream.linear.scatter [tilespmem:s11], [sflag:$0x4], $0x2800, $0x38;
	[tilespmem:$0x8000] =	vst v63  }
0x140: {  	_ =	swait.ge [sflag:s28], $0x2800  }
0x141: {  	[sflag:s28] =	ssyncset.done $0x0  }
0x142: {  	[sflag:s28] =	ssyncadd.s32 $0xFFFFD800  }
0x143: {  	v3 =	vld [tilespmem:$0x480];
	_ =	sdelay $0x4  }
0x144: {  	v43 =	vshll.u32 v3, $0x1  }
0x145: {  	v3 =	vand.u32 $0x7, v3;
	v4 =	vand.u32 $0xFFFFFFF0, v43  }
0x146: {  	v3 =	vor.u32 v3, v4  }
0x147: {  	v4 =	vperm.xlane v3, v0;
	_ =	sdelay $0x1  }
0x148: {  	v3 =	vperm.xlane v3, v2;
	v4 =	vadd.s32 v1, v4;
	_ =	sdelay $0x1  }
0x149: {  	v3 =	vadd.s32 v1, v3;
	_ =	sdelay $0x2  }
0x14a: {  	[tilespmem:s11], [sflag:$0x1] =	stream.indirect_vreg.gather [hbm4b:s0+s3], $0x80, v4, vm0, $0xb8;
	[tilespmem:$0x8000] =	vst v63  }
0x14b: {  	_ = 	snop  }
0x14c: {  	[tilespmem:s12], [sflag:$0x1] =	stream.indirect_vreg.gather [hbm4b:s0+s3], $0x80, v3, vm0, $0xb8;
	[tilespmem:$0x8000] =	vst v63  }
0x14d: {  	v3 =	vld [tilespmem:$0x490];
	_ =	sdelay $0x4  }
0x14e: {  	v44 =	vshll.u32 v3, $0x1  }
0x14f: {  	v3 =	vand.u32 $0x7, v3;
	v4 =	vand.u32 $0xFFFFFFF0, v44  }
0x150: {  	v3 =	vor.u32 v3, v4  }
0x151: {  	v4 =	vperm.xlane v3, v0;
	_ =	sdelay $0x1  }
0x152: {  	v3 =	vperm.xlane v3, v2;
	v4 =	vadd.s32 v1, v4;
	_ =	sdelay $0x1  }
0x153: {  	v3 =	vadd.s32 v1, v3;
	_ =	sdelay $0x2  }
0x154: {  	[tilespmem:s13], [sflag:$0x1] =	stream.indirect_vreg.gather [hbm4b:s0+s3], $0x80, v4, vm0, $0xb8;
	[tilespmem:$0x8000] =	vst v63  }
0x155: {  	_ = 	snop  }
0x156: {  	[tilespmem:s14], [sflag:$0x1] =	stream.indirect_vreg.gather [hbm4b:s0+s3], $0x80, v3, vm0, $0xb8;
	[tilespmem:$0x8000] =	vst v63  }
0x157: {  	v3 =	vld.msk [tilespmem:$0x4A0], $0xff;
	_ =	sdelay $0x4  }
0x158: {  	v45 =	vshll.u32 v3, $0x1  }
0x159: {  	v3 =	vand.u32 $0x7, v3;
	v4 =	vand.u32 $0xFFFFFFF0, v45  }
0x15a: {  	v3 =	vor.u32 v3, v4  }
0x15b: {  	v3 =	vperm.xlane v3, v0;
	_ =	sdelay $0x1  }
0x15c: {  	v3 =	vadd.s32 v1, v3;
	_ =	sdelay $0x4  }
0x15d: {  	[tilespmem:s15], [sflag:$0x1] =	stream.indirect_vreg.gather [hbm4b:s0+s3], $0x80, v3, vm0, $0xb8;
	[tilespmem:$0x8000] =	vst v63  }
0x15e: {  	_ =	swait.ge [sflag:s29], $0x2800  }
0x15f: {  	[sflag:s29] =	ssyncset.done $0x0  }
0x160: {  	s2 =	rddreg [dreg:$0xb];
	[sflag:s29] =	ssyncadd.s32 $0xFFFFD800  }
0x161: {  	[hbm4b:s2+s3] =	stream.linear.scatter [tilespmem:s16], [sflag:$0x5], $0x2800, $0x38;
	[tilespmem:$0x8000] =	vst v63  }
0x162: {  	_ =	swait.ge [sflag:s30], $0x2800  }
0x163: {  	[sflag:s30] =	ssyncset.done $0x0  }
0x164: {  	[sflag:s30] =	ssyncadd.s32 $0xFFFFD800  }
0x165: {  	v3 =	vld [tilespmem:$0x500];
	_ =	sdelay $0x4  }
0x166: {  	v46 =	vshll.u32 v3, $0x1  }
0x167: {  	v3 =	vand.u32 $0x7, v3;
	v4 =	vand.u32 $0xFFFFFFF0, v46  }
0x168: {  	v3 =	vor.u32 v3, v4  }
0x169: {  	v4 =	vperm.xlane v3, v0;
	_ =	sdelay $0x1  }
0x16a: {  	v3 =	vperm.xlane v3, v2;
	v4 =	vadd.s32 v1, v4;
	_ =	sdelay $0x1  }
0x16b: {  	v3 =	vadd.s32 v1, v3;
	_ =	sdelay $0x2  }
0x16c: {  	[tilespmem:s16], [sflag:$0x2] =	stream.indirect_vreg.gather [hbm4b:s0+s3], $0x80, v4, vm0, $0xb8;
	[tilespmem:$0x8000] =	vst v63  }
0x16d: {  	_ = 	snop  }
0x16e: {  	[tilespmem:s17], [sflag:$0x2] =	stream.indirect_vreg.gather [hbm4b:s0+s3], $0x80, v3, vm0, $0xb8;
	[tilespmem:$0x8000] =	vst v63  }
0x16f: {  	v3 =	vld [tilespmem:$0x510];
	_ =	sdelay $0x4  }
0x170: {  	v47 =	vshll.u32 v3, $0x1  }
0x171: {  	v3 =	vand.u32 $0x7, v3;
	v4 =	vand.u32 $0xFFFFFFF0, v47  }
0x172: {  	v3 =	vor.u32 v3, v4  }
0x173: {  	v4 =	vperm.xlane v3, v0;
	_ =	sdelay $0x1  }
0x174: {  	v3 =	vperm.xlane v3, v2;
	v4 =	vadd.s32 v1, v4;
	_ =	sdelay $0x1  }
0x175: {  	v3 =	vadd.s32 v1, v3;
	_ =	sdelay $0x2  }
0x176: {  	[tilespmem:s18], [sflag:$0x2] =	stream.indirect_vreg.gather [hbm4b:s0+s3], $0x80, v4, vm0, $0xb8;
	[tilespmem:$0x8000] =	vst v63  }
0x177: {  	_ = 	snop  }
0x178: {  	[tilespmem:s19], [sflag:$0x2] =	stream.indirect_vreg.gather [hbm4b:s0+s3], $0x80, v3, vm0, $0xb8;
	[tilespmem:$0x8000] =	vst v63  }
0x179: {  	v3 =	vld.msk [tilespmem:$0x520], $0xff;
	_ =	sdelay $0x4  }
0x17a: {  	v48 =	vshll.u32 v3, $0x1  }
0x17b: {  	v3 =	vand.u32 $0x7, v3;
	v4 =	vand.u32 $0xFFFFFFF0, v48  }
0x17c: {  	v3 =	vor.u32 v3, v4  }
0x17d: {  	v3 =	vperm.xlane v3, v0;
	_ =	sdelay $0x1  }
0x17e: {  	v3 =	vadd.s32 v1, v3;
	_ =	sdelay $0x4  }
0x17f: {  	[tilespmem:s20], [sflag:$0x2] =	stream.indirect_vreg.gather [hbm4b:s0+s3], $0x80, v3, vm0, $0xb8;
	[tilespmem:$0x8000] =	vst v63  }
0x180: {  	_ =	swait.ge [sflag:s31], $0x2800  }
0x181: {  	[sflag:s31] =	ssyncset.done $0x0  }
0x182: {  	s2 =	rddreg [dreg:$0xc];
	[sflag:s31] =	ssyncadd.s32 $0xFFFFD800  }
0x183: {  	[hbm4b:s2+s3] =	stream.linear.scatter [tilespmem:s21], [sflag:$0x6], $0x2800, $0x38;
	[tilespmem:$0x8000] =	vst v63  }
0x184: {  	_ =	swait.ge [sflag:s1], $0x2800  }
0x185: {  	[sflag:s1] =	ssyncset.done $0x0  }
0x186: {  	[sflag:s1] =	ssyncadd.s32 $0xFFFFD800  }
0x187: {  	v3 =	vld [tilespmem:$0x580];
	_ =	sdelay $0x4  }
0x188: {  	v49 =	vshll.u32 v3, $0x1  }
0x189: {  	v3 =	vand.u32 $0x7, v3;
	v4 =	vand.u32 $0xFFFFFFF0, v49  }
0x18a: {  	v3 =	vor.u32 v3, v4  }
0x18b: {  	v4 =	vperm.xlane v3, v0;
	_ =	sdelay $0x1  }
0x18c: {  	v3 =	vperm.xlane v3, v2;
	v4 =	vadd.s32 v1, v4;
	_ =	sdelay $0x1  }
0x18d: {  	v3 =	vadd.s32 v1, v3;
	_ =	sdelay $0x2  }
0x18e: {  	[tilespmem:s21], [sflag:$0x3] =	stream.indirect_vreg.gather [hbm4b:s0+s3], $0x80, v4, vm0, $0xb8;
	[tilespmem:$0x8000] =	vst v63  }
0x18f: {  	_ = 	snop  }
0x190: {  	[tilespmem:s22], [sflag:$0x3] =	stream.indirect_vreg.gather [hbm4b:s0+s3], $0x80, v3, vm0, $0xb8;
	[tilespmem:$0x8000] =	vst v63  }
0x191: {  	v3 =	vld [tilespmem:$0x590];
	_ =	sdelay $0x4  }
0x192: {  	v50 =	vshll.u32 v3, $0x1  }
0x193: {  	v3 =	vand.u32 $0x7, v3;
	v4 =	vand.u32 $0xFFFFFFF0, v50  }
0x194: {  	v3 =	vor.u32 v3, v4  }
0x195: {  	v4 =	vperm.xlane v3, v0;
	_ =	sdelay $0x1  }
0x196: {  	v3 =	vperm.xlane v3, v2;
	v4 =	vadd.s32 v1, v4;
	_ =	sdelay $0x1  }
0x197: {  	v3 =	vadd.s32 v1, v3;
	_ =	sdelay $0x2  }
0x198: {  	[tilespmem:s23], [sflag:$0x3] =	stream.indirect_vreg.gather [hbm4b:s0+s3], $0x80, v4, vm0, $0xb8;
	[tilespmem:$0x8000] =	vst v63  }
0x199: {  	_ = 	snop  }
0x19a: {  	[tilespmem:s24], [sflag:$0x3] =	stream.indirect_vreg.gather [hbm4b:s0+s3], $0x80, v3, vm0, $0xb8;
	[tilespmem:$0x8000] =	vst v63  }
0x19b: {  	v3 =	vld.msk [tilespmem:$0x5A0], $0xff;
	_ =	sdelay $0x4  }
0x19c: {  	v51 =	vshll.u32 v3, $0x1  }
0x19d: {  	v3 =	vand.u32 $0x7, v3;
	v4 =	vand.u32 $0xFFFFFFF0, v51  }
0x19e: {  	v3 =	vor.u32 v3, v4  }
0x19f: {  	v3 =	vperm.xlane v3, v0;
	_ =	sdelay $0x1  }
0x1a0: {  	v3 =	vadd.s32 v1, v3;
	_ =	sdelay $0x4  }
0x1a1: {  	[tilespmem:s25], [sflag:$0x3] =	stream.indirect_vreg.gather [hbm4b:s0+s3], $0x80, v3, vm0, $0xb8;
	[tilespmem:$0x8000] =	vst v63  }
0x1a2: {  	_ =	swait.ge [sflag:s26], $0x2800  }
0x1a3: {  	[sflag:s26] =	ssyncset.done $0x0  }
0x1a4: {  	s2 =	rddreg [dreg:$0xd];
	[sflag:s26] =	ssyncadd.s32 $0xFFFFD800  }
0x1a5: {  	[hbm4b:s2+s3] =	stream.linear.scatter [tilespmem:s11], [sflag:$0x4], $0x2800, $0x38;
	[tilespmem:$0x8000] =	vst v63  }
0x1a6: {  	_ =	swait.ge [sflag:s28], $0x2800  }
0x1a7: {  	[sflag:s28] =	ssyncset.done $0x0  }
0x1a8: {  	[sflag:s28] =	ssyncadd.s32 $0xFFFFD800  }
0x1a9: {  	v3 =	vld [tilespmem:$0x600];
	_ =	sdelay $0x4  }
0x1aa: {  	v52 =	vshll.u32 v3, $0x1  }
0x1ab: {  	v3 =	vand.u32 $0x7, v3;
	v4 =	vand.u32 $0xFFFFFFF0, v52  }
0x1ac: {  	v3 =	vor.u32 v3, v4  }
0x1ad: {  	v4 =	vperm.xlane v3, v0;
	_ =	sdelay $0x1  }
0x1ae: {  	v3 =	vperm.xlane v3, v2;
	v4 =	vadd.s32 v1, v4;
	_ =	sdelay $0x1  }
0x1af: {  	v3 =	vadd.s32 v1, v3;
	_ =	sdelay $0x2  }
0x1b0: {  	[tilespmem:s11], [sflag:$0x1] =	stream.indirect_vreg.gather [hbm4b:s0+s3], $0x80, v4, vm0, $0xb8;
	[tilespmem:$0x8000] =	vst v63  }
0x1b1: {  	_ = 	snop  }
0x1b2: {  	[tilespmem:s12], [sflag:$0x1] =	stream.indirect_vreg.gather [hbm4b:s0+s3], $0x80, v3, vm0, $0xb8;
	[tilespmem:$0x8000] =	vst v63  }
0x1b3: {  	v3 =	vld [tilespmem:$0x610];
	_ =	sdelay $0x4  }
0x1b4: {  	v53 =	vshll.u32 v3, $0x1  }
0x1b5: {  	v3 =	vand.u32 $0x7, v3;
	v4 =	vand.u32 $0xFFFFFFF0, v53  }
0x1b6: {  	v3 =	vor.u32 v3, v4  }
0x1b7: {  	v4 =	vperm.xlane v3, v0;
	_ =	sdelay $0x1  }
0x1b8: {  	v3 =	vperm.xlane v3, v2;
	v4 =	vadd.s32 v1, v4;
	_ =	sdelay $0x1  }
0x1b9: {  	v3 =	vadd.s32 v1, v3;
	_ =	sdelay $0x2  }
0x1ba: {  	[tilespmem:s13], [sflag:$0x1] =	stream.indirect_vreg.gather [hbm4b:s0+s3], $0x80, v4, vm0, $0xb8;
	[tilespmem:$0x8000] =	vst v63  }
0x1bb: {  	_ = 	snop  }
0x1bc: {  	[tilespmem:s14], [sflag:$0x1] =	stream.indirect_vreg.gather [hbm4b:s0+s3], $0x80, v3, vm0, $0xb8;
	[tilespmem:$0x8000] =	vst v63  }
0x1bd: {  	v3 =	vld.msk [tilespmem:$0x620], $0xff;
	_ =	sdelay $0x4  }
0x1be: {  	v54 =	vshll.u32 v3, $0x1  }
0x1bf: {  	v3 =	vand.u32 $0x7, v3;
	v4 =	vand.u32 $0xFFFFFFF0, v54  }
0x1c0: {  	v3 =	vor.u32 v3, v4  }
0x1c1: {  	v3 =	vperm.xlane v3, v0;
	_ =	sdelay $0x1  }
0x1c2: {  	v3 =	vadd.s32 v1, v3;
	_ =	sdelay $0x4  }
0x1c3: {  	[tilespmem:s15], [sflag:$0x1] =	stream.indirect_vreg.gather [hbm4b:s0+s3], $0x80, v3, vm0, $0xb8;
	[tilespmem:$0x8000] =	vst v63  }
0x1c4: {  	_ =	swait.ge [sflag:s29], $0x2800  }
0x1c5: {  	[sflag:s29] =	ssyncset.done $0x0  }
0x1c6: {  	s2 =	rddreg [dreg:$0xe];
	[sflag:s29] =	ssyncadd.s32 $0xFFFFD800  }
0x1c7: {  	[hbm4b:s2+s3] =	stream.linear.scatter [tilespmem:s16], [sflag:$0x5], $0x2800, $0x38;
	[tilespmem:$0x8000] =	vst v63  }
0x1c8: {  	_ =	swait.ge [sflag:s30], $0x2800  }
0x1c9: {  	[sflag:s30] =	ssyncset.done $0x0  }
0x1ca: {  	[sflag:s30] =	ssyncadd.s32 $0xFFFFD800  }
0x1cb: {  	v3 =	vld [tilespmem:$0x680];
	_ =	sdelay $0x4  }
0x1cc: {  	v55 =	vshll.u32 v3, $0x1  }
0x1cd: {  	v3 =	vand.u32 $0x7, v3;
	v4 =	vand.u32 $0xFFFFFFF0, v55  }
0x1ce: {  	v3 =	vor.u32 v3, v4  }
0x1cf: {  	v4 =	vperm.xlane v3, v0;
	_ =	sdelay $0x1  }
0x1d0: {  	v3 =	vperm.xlane v3, v2;
	v4 =	vadd.s32 v1, v4;
	_ =	sdelay $0x1  }
0x1d1: {  	v3 =	vadd.s32 v1, v3;
	_ =	sdelay $0x2  }
0x1d2: {  	[tilespmem:s16], [sflag:$0x2] =	stream.indirect_vreg.gather [hbm4b:s0+s3], $0x80, v4, vm0, $0xb8;
	[tilespmem:$0x8000] =	vst v63  }
0x1d3: {  	_ = 	snop  }
0x1d4: {  	[tilespmem:s17], [sflag:$0x2] =	stream.indirect_vreg.gather [hbm4b:s0+s3], $0x80, v3, vm0, $0xb8;
	[tilespmem:$0x8000] =	vst v63  }
0x1d5: {  	v3 =	vld [tilespmem:$0x690];
	_ =	sdelay $0x4  }
0x1d6: {  	v56 =	vshll.u32 v3, $0x1  }
0x1d7: {  	v3 =	vand.u32 $0x7, v3;
	v4 =	vand.u32 $0xFFFFFFF0, v56  }
0x1d8: {  	v3 =	vor.u32 v3, v4  }
0x1d9: {  	v4 =	vperm.xlane v3, v0;
	_ =	sdelay $0x1  }
0x1da: {  	v3 =	vperm.xlane v3, v2;
	v4 =	vadd.s32 v1, v4;
	_ =	sdelay $0x1  }
0x1db: {  	v3 =	vadd.s32 v1, v3;
	_ =	sdelay $0x2  }
0x1dc: {  	[tilespmem:s18], [sflag:$0x2] =	stream.indirect_vreg.gather [hbm4b:s0+s3], $0x80, v4, vm0, $0xb8;
	[tilespmem:$0x8000] =	vst v63  }
0x1dd: {  	_ = 	snop  }
0x1de: {  	[tilespmem:s19], [sflag:$0x2] =	stream.indirect_vreg.gather [hbm4b:s0+s3], $0x80, v3, vm0, $0xb8;
	[tilespmem:$0x8000] =	vst v63  }
0x1df: {  	v3 =	vld.msk [tilespmem:$0x6A0], $0xff;
	_ =	sdelay $0x4  }
0x1e0: {  	v57 =	vshll.u32 v3, $0x1  }
0x1e1: {  	v3 =	vand.u32 $0x7, v3;
	v4 =	vand.u32 $0xFFFFFFF0, v57  }
0x1e2: {  	v3 =	vor.u32 v3, v4  }
0x1e3: {  	v3 =	vperm.xlane v3, v0;
	_ =	sdelay $0x1  }
0x1e4: {  	v3 =	vadd.s32 v1, v3;
	_ =	sdelay $0x4  }
0x1e5: {  	[tilespmem:s20], [sflag:$0x2] =	stream.indirect_vreg.gather [hbm4b:s0+s3], $0x80, v3, vm0, $0xb8;
	[tilespmem:$0x8000] =	vst v63  }
0x1e6: {  	_ =	swait.ge [sflag:s31], $0x2800  }
0x1e7: {  	[sflag:s31] =	ssyncset.done $0x0  }
0x1e8: {  	s2 =	rddreg [dreg:$0xf];
	[sflag:s31] =	ssyncadd.s32 $0xFFFFD800  }
0x1e9: {  	[hbm4b:s2+s3] =	stream.linear.scatter [tilespmem:s21], [sflag:$0x6], $0x2800, $0x38;
	[tilespmem:$0x8000] =	vst v63  }
0x1ea: {  	_ =	swait.ge [sflag:s1], $0x2800  }
0x1eb: {  	[sflag:s1] =	ssyncset.done $0x0  }
0x1ec: {  	[sflag:s1] =	ssyncadd.s32 $0xFFFFD800  }
0x1ed: {  	v3 =	vld [tilespmem:$0x700];
	_ =	sdelay $0x4  }
0x1ee: {  	v58 =	vshll.u32 v3, $0x1  }
0x1ef: {  	v3 =	vand.u32 $0x7, v3;
	v4 =	vand.u32 $0xFFFFFFF0, v58  }
0x1f0: {  	v3 =	vor.u32 v3, v4  }
0x1f1: {  	v4 =	vperm.xlane v3, v0;
	_ =	sdelay $0x1  }
0x1f2: {  	v3 =	vperm.xlane v3, v2;
	v4 =	vadd.s32 v1, v4;
	_ =	sdelay $0x1  }
0x1f3: {  	v3 =	vadd.s32 v1, v3;
	_ =	sdelay $0x2  }
0x1f4: {  	[tilespmem:s21], [sflag:$0x3] =	stream.indirect_vreg.gather [hbm4b:s0+s3], $0x80, v4, vm0, $0xb8;
	[tilespmem:$0x8000] =	vst v63  }
0x1f5: {  	_ = 	snop  }
0x1f6: {  	[tilespmem:s22], [sflag:$0x3] =	stream.indirect_vreg.gather [hbm4b:s0+s3], $0x80, v3, vm0, $0xb8;
	[tilespmem:$0x8000] =	vst v63  }
0x1f7: {  	v3 =	vld [tilespmem:$0x710];
	_ =	sdelay $0x4  }
0x1f8: {  	v59 =	vshll.u32 v3, $0x1  }
0x1f9: {  	v3 =	vand.u32 $0x7, v3;
	v4 =	vand.u32 $0xFFFFFFF0, v59  }
0x1fa: {  	v3 =	vor.u32 v3, v4  }
0x1fb: {  	v4 =	vperm.xlane v3, v0;
	_ =	sdelay $0x1  }
0x1fc: {  	v3 =	vperm.xlane v3, v2;
	v4 =	vadd.s32 v1, v4;
	_ =	sdelay $0x1  }
0x1fd: {  	v3 =	vadd.s32 v1, v3;
	_ =	sdelay $0x2  }
0x1fe: {  	[tilespmem:s23], [sflag:$0x3] =	stream.indirect_vreg.gather [hbm4b:s0+s3], $0x80, v4, vm0, $0xb8;
	[tilespmem:$0x8000] =	vst v63  }
0x1ff: {  	_ = 	snop  }
0x200: {  	[tilespmem:s24], [sflag:$0x3] =	stream.indirect_vreg.gather [hbm4b:s0+s3], $0x80, v3, vm0, $0xb8;
	[tilespmem:$0x8000] =	vst v63  }
0x201: {  	v3 =	vld.msk [tilespmem:$0x720], $0xff;
	_ =	sdelay $0x4  }
0x202: {  	v60 =	vshll.u32 v3, $0x1  }
0x203: {  	v3 =	vand.u32 $0x7, v3;
	v4 =	vand.u32 $0xFFFFFFF0, v60  }
0x204: {  	v3 =	vor.u32 v3, v4  }
0x205: {  	v3 =	vperm.xlane v3, v0;
	_ =	sdelay $0x1  }
0x206: {  	v3 =	vadd.s32 v1, v3;
	_ =	sdelay $0x4  }
0x207: {  	[tilespmem:s25], [sflag:$0x3] =	stream.indirect_vreg.gather [hbm4b:s0+s3], $0x80, v3, vm0, $0xb8;
	[tilespmem:$0x8000] =	vst v63  }
0x208: {  	_ =	swait.ge [sflag:s26], $0x2800  }
0x209: {  	[sflag:s26] =	ssyncset.done $0x0  }
0x20a: {  	[sflag:s26] =	ssyncadd.s32 $0xFFFFD800  }
0x20b: {  	[hbm4b:s5+s3] =	stream.linear.scatter [tilespmem:s11], [sflag:$0x4], $0x2800, $0x38;
	[tilespmem:$0x8000] =	vst v63  }
0x20c: {  	_ =	swait.ge [sflag:s28], $0x2800  }
0x20d: {  	[sflag:s28] =	ssyncset.done $0x0  }
0x20e: {  	[sflag:s28] =	ssyncadd.s32 $0xFFFFD800  }
0x20f: {  	v3 =	vld [tilespmem:$0x780];
	_ =	sdelay $0x4  }
0x210: {  	v61 =	vshll.u32 v3, $0x1  }
0x211: {  	v3 =	vand.u32 $0x7, v3;
	v4 =	vand.u32 $0xFFFFFFF0, v61  }
0x212: {  	v3 =	vor.u32 v3, v4  }
0x213: {  	v4 =	vperm.xlane v3, v0;
	_ =	sdelay $0x1  }
0x214: {  	v3 =	vperm.xlane v3, v2;
	v4 =	vadd.s32 v1, v4;
	_ =	sdelay $0x1  }
0x215: {  	v3 =	vadd.s32 v1, v3;
	_ =	sdelay $0x2  }
0x216: {  	[tilespmem:s11], [sflag:$0x1] =	stream.indirect_vreg.gather [hbm4b:s0+s3], $0x80, v4, vm0, $0xb8;
	[tilespmem:$0x8000] =	vst v63  }
0x217: {  	_ = 	snop  }
0x218: {  	[tilespmem:s12], [sflag:$0x1] =	stream.indirect_vreg.gather [hbm4b:s0+s3], $0x80, v3, vm0, $0xb8;
	[tilespmem:$0x8000] =	vst v63  }
0x219: {  	v3 =	vld [tilespmem:$0x790];
	_ =	sdelay $0x4  }
0x21a: {  	v62 =	vshll.u32 v3, $0x1  }
0x21b: {  	v3 =	vand.u32 $0x7, v3;
	v4 =	vand.u32 $0xFFFFFFF0, v62  }
0x21c: {  	v3 =	vor.u32 v3, v4  }
0x21d: {  	v4 =	vperm.xlane v3, v0;
	_ =	sdelay $0x1  }
0x21e: {  	v3 =	vperm.xlane v3, v2;
	v4 =	vadd.s32 v1, v4;
	_ =	sdelay $0x1  }
0x21f: {  	v3 =	vadd.s32 v1, v3;
	_ =	sdelay $0x2  }
0x220: {  	[tilespmem:s13], [sflag:$0x1] =	stream.indirect_vreg.gather [hbm4b:s0+s3], $0x80, v4, vm0, $0xb8;
	[tilespmem:$0x8000] =	vst v63  }
0x221: {  	_ = 	snop  }
0x222: {  	[tilespmem:s14], [sflag:$0x1] =	stream.indirect_vreg.gather [hbm4b:s0+s3], $0x80, v3, vm0, $0xb8;
	[tilespmem:$0x8000] =	vst v63  }
0x223: {  	v3 =	vld.msk [tilespmem:$0x7A0], $0xff;
	_ =	sdelay $0x4  }
0x224: {  	v63 =	vshll.u32 v3, $0x1  }
0x225: {  	v3 =	vand.u32 $0x7, v3;
	v4 =	vand.u32 $0xFFFFFFF0, v63  }
0x226: {  	v3 =	vor.u32 v3, v4  }
0x227: {  	v3 =	vperm.xlane v3, v0;
	_ =	sdelay $0x1  }
0x228: {  	v3 =	vadd.s32 v1, v3;
	_ =	sdelay $0x4  }
0x229: {  	[tilespmem:s15], [sflag:$0x1] =	stream.indirect_vreg.gather [hbm4b:s0+s3], $0x80, v3, vm0, $0xb8;
	[tilespmem:$0x8000] =	vst v63  }
0x22a: {  	_ =	swait.ge [sflag:s29], $0x2800  }
0x22b: {  	[sflag:s29] =	ssyncset.done $0x0  }
0x22c: {  	[sflag:s29] =	ssyncadd.s32 $0xFFFFD800  }
0x22d: {  	[hbm4b:s6+s3] =	stream.linear.scatter [tilespmem:s16], [sflag:$0x5], $0x2800, $0x38;
	[tilespmem:$0x8000] =	vst v63  }
0x22e: {  	_ =	swait.ge [sflag:s31], $0x2800  }
0x22f: {  	[sflag:s31] =	ssyncset.done $0x0  }
0x230: {  	[sflag:s31] =	ssyncadd.s32 $0xFFFFD800  }
0x231: {  	[hbm4b:s7+s3] =	stream.linear.scatter [tilespmem:s21], [sflag:$0x6], $0x2800, $0x38;
	[tilespmem:$0x8000] =	vst v63  }
0x232: {  	_ =	swait.ge [sflag:s26], $0x2800  }
0x233: {  	[sflag:s26] =	ssyncset.done $0x0  }
0x234: {  	[sflag:s26] =	ssyncadd.s32 $0xFFFFD800  }
0x235: {  	[hbm4b:s8+s3] =	stream.linear.scatter [tilespmem:s11], [sflag:$0x4], $0x2800, $0x38;
	[tilespmem:$0x8000] =	vst v63  }
0x236: {  	_ =	swait.ge [sflag:s30], $0x2800  }
0x237: {  	[sflag:s30] =	ssyncset.done $0x0  }
0x238: {  	[sflag:s30] =	ssyncadd.s32 $0xFFFFD800  }
0x239: {  	p0 =	sne.s32 s9, $0x1;
	_ =	swait.ge [sflag:s1], $0x2800  }
.Ltmp0:
0x23a: {  	[sflag:s1] =	ssyncset.done $0x0;
	(pc) =	sbr.rel @p0 .LBB2_1-.Ltmp0, $4  }
0x23b: {  	[sflag:s1] =	ssyncadd.s32 $0xFFFFD800  }
0x23c: {  	_ =	swait.ge [sflag:s28], $0x2800  }
0x23d: {  	[sflag:s28] =	ssyncset.done $0x0  }
0x23e: {  	s9 =	sadd.s32 $0xFFFFFFFF, s9;
	[sflag:s28] =	ssyncadd.s32 $0xFFFFD800  }
0x23f: {  	_ =	sfence.sel $0x180000  }
0x240: {  	[bflag:$0x0] =	sbarrier.arrive $0xFFFF  }
0x241: {  	_ =	strace $0x90000047  }
0x242: {  	s0 =	stileid.u32;
	[bflag:$0x2] =	sbarrier.arrive $0xFFFF  }
0x243: {  	p0 =	sne.s32 s0, $0x0;
	s0 =	rddreg [dreg:$0x3]  }
0x244: {  	s0 =	sadd.s32 @!p0 $0x100000, s0  }
0x245: {  	[sflag:s0] =	ssyncadd.tile.s32 @!p0 $0x1;
	_ =	shalt  }
.Lfunc_end2:
_tile_overlayer_lowered:
.L_overlay_start_2:
0x246: {  	(tag) =	ssettag $0x2  }
0x247: {  	s0 =	rddreg [dreg:$0x0];
	s2 =	stileid.u32  }
0x248: {  	s1 =	rddreg [dreg:$0x1];
	p0 =	sne.s32 s2, $0x0  }
0x249: {  	s3 =	rddreg [dreg:$0x2];
	[bflag:$0x3] =	sbarrier.arrive $0xFFFF;
	s2 =	simm.s32 @!p0 $0x1C07  }
0x24a: {  	[timem:s3], [sflag:s2] =	dma.local @!p0 [hbm:s0], s1  }
0x24b: {  	s0 =	simm.s32 @!p0 $0x7  }
0x24c: {  	_ =	swait.ge @!p0 [sflag:s0], s1  }
0x24d: {  	s1 =	ssub.s32 @!p0 $0x0, s1;
	[sflag:s0] =	ssyncset.done @!p0 $0x0  }
0x24e: {  	[sflag:s0] =	ssyncadd.s32 @!p0 s1  }
0x24f: {  	[bflag:$0x3] =	sbarrier.arrive $0xFFFF  }
0x250: {  	_ =	shalt  }

</sc_bundles>
